<compile_context>
chip_gen: v7x
topology: tpu7x:2x2x1
jax: 0.10.2.dev20260603
libtpu: 0.0.44.dev20260713+nightly
codegen_flags: <defaults>
</compile_context>

<pallas_src>
import functools

import jax
import jax.numpy as jnp
from jax import lax
from jax.experimental import pallas as pl
from jax.experimental.pallas import tpu as pltpu
from jax.experimental.pallas import tpu_sc as plsc

V = 8192
HV = V // 2
B = 16
T = 1024
N = B * T

_NC = 2
_NS = 16
_L = 16
_NW = _NC * _NS
_PER_W = N // _NW
_CH = 4
_NCHUNK = _PER_W // _CH
_HALF = _NCHUNK // 2


def _mesh():
    return plsc.VectorSubcoreMesh(core_axis_name="c", subcore_axis_name="s")


_GCH = 8
_NGCH = _PER_W // _GCH


def _sc_gather(table, xf):
    @functools.partial(
        pl.kernel,
        mesh=_mesh(),
        out_type=jax.ShapeDtypeStruct((N, V), jnp.float32),
        scratch_types=[
            pltpu.VMEM((_PER_W,), jnp.int32),
            pltpu.VMEM((_GCH, V), jnp.float32),
            pltpu.SemaphoreType.DMA,
        ],
    )
    def k(table_hbm, x_hbm, out_hbm, xv, rows, sem):
        wid = lax.axis_index("s") * _NC + lax.axis_index("c")
        base = wid * _PER_W
        pltpu.sync_copy(x_hbm.at[pl.ds(base, _PER_W)], xv)

        def chunk(j, carry):
            off = j * _GCH
            pltpu.async_copy(
                table_hbm.at[xv.at[pl.ds(off, _GCH)]], rows, sem).wait()
            pltpu.sync_copy(rows, out_hbm.at[pl.ds(base + off, _GCH)])
            return carry

        lax.fori_loop(0, _NGCH, chunk, 0)

    return k(table, xf)


_LSE_ROWS = 256


def _lse_body(tbl_ref, out_ref):
    blk = tbl_ref[...]
    m = jnp.max(blk, axis=1, keepdims=True)
    s = jnp.sum(jnp.exp(blk - m), axis=1, keepdims=True)
    out_ref[...] = jnp.log(s) + m


def _table_lse(table):
    return pl.pallas_call(
        _lse_body,
        grid=(V // _LSE_ROWS,),
        in_specs=[pl.BlockSpec((_LSE_ROWS, V), lambda i: (i, 0))],
        out_specs=pl.BlockSpec((_LSE_ROWS, 1), lambda i: (i, 0)),
        out_shape=jax.ShapeDtypeStruct((V, 1), jnp.float32),
    )(table)


def _sc_combine(lse1, table128, xf, tf):
    @functools.partial(
        pl.kernel,
        mesh=_mesh(),
        out_type=[
            jax.ShapeDtypeStruct((_NW, _L), jnp.float32),
            jax.ShapeDtypeStruct((N, 128), jnp.float32),
        ],
        scratch_types=[
            pltpu.VMEM((_PER_W,), jnp.int32),
            pltpu.VMEM((_PER_W,), jnp.int32),
            pltpu.VMEM((_PER_W,), jnp.int32),
            pltpu.VMEM((_PER_W,), jnp.float32),
            pltpu.VMEM((_PER_W, 128), jnp.float32),
            pltpu.VMEM((_L,), jnp.float32),
            pltpu.SemaphoreType.DMA,
        ],
    )
    def k(lse_hbm, t128_hbm, x_hbm, t_hbm, out_hbm, sl_hbm, xv, tv, fv, lv,
          gv, accv, sem):
        wid = lax.axis_index("s") * _NC + lax.axis_index("c")
        base = wid * _PER_W
        pltpu.sync_copy(x_hbm.at[pl.ds(base, _PER_W)], xv)
        pltpu.sync_copy(t_hbm.at[pl.ds(base, _PER_W)], tv)

        def mkflat(i, c):
            sl = pl.ds(i * _L, _L)
            fv[sl] = xv[sl] * (V // 128) + jnp.right_shift(tv[sl], 7)
            return c

        lax.fori_loop(0, _PER_W // _L, mkflat, 0)

        def gchunk(j, c):
            sl = pl.ds(j * 128, 128)
            pltpu.async_copy(lse_hbm.at[xv.at[sl]], lv.at[sl], sem).wait()
            pltpu.async_copy(t128_hbm.at[fv.at[sl]], gv.at[sl], sem).wait()
            return c

        lax.fori_loop(0, _PER_W // 128, gchunk, 0)

        def red(i, acc):
            return acc + lv[pl.ds(i * _L, _L)]

        acc = lax.fori_loop(0, _PER_W // _L, red, jnp.zeros((_L,), jnp.float32))
        accv[...] = acc
        pltpu.sync_copy(accv, out_hbm.at[wid])
        pltpu.sync_copy(gv, sl_hbm.at[pl.ds(base, _PER_W)])

    return k(lse1, table128, xf, tf)


def _loss_body(p_ref, s_ref, t_ref, o_ref):
    lanes = jax.lax.broadcasted_iota(jnp.int32, (N, 128), 1)
    sel = jnp.where(lanes == jnp.bitwise_and(t_ref[...], 127), s_ref[...], 0.0)
    o_ref[...] = ((jnp.sum(p_ref[...]) - jnp.sum(sel)) / N).reshape(1, 1)


def _loss_sum(lse_parts, slivers, t2):
    return pl.pallas_call(
        _loss_body,
        out_shape=jax.ShapeDtypeStruct((1, 1), jnp.float32),
    )(lse_parts, slivers, t2)


def kernel(x, targets, table):
    xf = x.reshape(-1)
    tf = targets.reshape(-1)
    table128 = table.reshape(V * V // 128, 128)
    logits = _sc_gather(table, xf)
    lse1 = _table_lse(table).reshape(-1)
    lse_parts, slivers = _sc_combine(lse1, table128, xf, tf)
    loss = _loss_sum(lse_parts, slivers, tf.reshape(N, 1))[0, 0]
    return logits.reshape(B, T, V), loss

# --- scband reference (transcript-rebuilt; emitter-appended) ---
"""Pipeline reference for scband-bigram-model-1039382085645 (READ-ONLY COPY).

The authoritative reference and input builder live on the scoring server;
editing this copy changes nothing except your own understanding.
"""

import jax, jax.numpy as jnp
import numpy as np

VOCAB = 8192
BATCH = 16
SEQ = 1024


def setup_inputs(seed: int = 0) -> dict:
    key = jax.random.key(seed)
    k1, k2, k3 = jax.random.split(key, 3)
    x = jax.random.randint(k1, (BATCH, SEQ), 0, VOCAB, dtype=jnp.int32)
    targets = jax.random.randint(k2, (BATCH, SEQ), 0, VOCAB, dtype=jnp.int32)
    # learned parameter: nn.Embedding(vocab_size, vocab_size) weight
    table = jax.random.normal(k3, (VOCAB, VOCAB), dtype=jnp.float32) * 0.02
    return {"x": x, "targets": targets, "table": table}


def reference(x, targets, table):
    # logits = self.embedding(x)
    logits = jnp.take(table, x, axis=0)  # [B, T, V]
    # loss = F.cross_entropy(logits.view(-1, V), targets.view(-1))
    flat_logits = logits.reshape(-1, VOCAB)
    flat_t = targets.reshape(-1)
    logp = jax.nn.log_softmax(flat_logits, axis=-1)
    nll = -jnp.take_along_axis(logp, flat_t[:, None], axis=1)[:, 0]
    loss = jnp.mean(nll)
    return (logits, loss)

if __name__ == "__main__":
    import jax
    _d = setup_inputs()
    print(jax.jit(kernel)(*tuple(_d.values())))

</pallas_src>

<mosaic_0001>
#map = affine_map<(d0, d1) -> (0, 0)>
#map1 = affine_map<(d0, d1) -> (0)>
module attributes {stable_mosaic.version = 14 : i64} {
  func.func @k(%arg0: i32, %arg1: i32, %arg2: memref<8192x8192xf32, #tpu.memory_space<hbm>>, %arg3: memref<16384xi32, #tpu.memory_space<hbm>>, %arg4: memref<16384x8192xf32, #tpu.memory_space<hbm>>, %arg5: memref<512xi32, #tpu.memory_space<vmem>>, %arg6: memref<8x8192xf32, #tpu.memory_space<vmem>>, %arg7: memref<!tpu.dma_semaphore, #tpu.memory_space<semaphore_mem>>) attributes {dimension_semantics = [#tpu.dimension_semantics<core_parallel>, #tpu.dimension_semantics<subcore_parallel>], iteration_bounds = array<i64: 2, 16>, scalar_prefetch = 0 : i64, scratch_operands = 3 : i64, tpu.core_type = #tpu.core_type<sc_vector_subcore>, window_params = [{transform_indices = #map}, {transform_indices = #map1}, {transform_indices = #map}]} {
    %mul3A = arith.constant 2 : i32
    %mul3A_0 = arith.muli %arg1, %mul3A : i32
    %add3A = arith.addi %mul3A_0, %arg0 : i32
    %mul3A_1 = arith.constant 512 : i32
    %mul3A_2 = arith.muli %add3A, %mul3A_1 : i32
    "tpu.region"() ({
      %run_scoped3A = tpu.sem_alloc : memref<!tpu.dma_semaphore, #tpu.memory_space<semaphore_mem>>
      %dma_start3A = tpu.memref_slice %arg3[%mul3A_2] : memref<16384xi32, #tpu.memory_space<hbm>> -> memref<512xi32, #tpu.memory_space<hbm>>
      %dma_start3A_8 = tpu.memref_slice %arg3[%mul3A_2] : memref<16384xi32, #tpu.memory_space<hbm>> -> memref<512xi32, #tpu.memory_space<hbm>>
      tpu.enqueue_dma source(%dma_start3A_8 : memref<512xi32, #tpu.memory_space<hbm>>) target(%arg5 : memref<512xi32, #tpu.memory_space<vmem>>) target_semaphore(%run_scoped3A : memref<!tpu.dma_semaphore, #tpu.memory_space<semaphore_mem>>)
      %dma_wait3A = tpu.memref_slice %arg3[%mul3A_2] : memref<16384xi32, #tpu.memory_space<hbm>> -> memref<512xi32, #tpu.memory_space<hbm>>
      %dma_wait3A_9 = tpu.memref_slice %arg3[%mul3A_2] : memref<16384xi32, #tpu.memory_space<hbm>> -> memref<512xi32, #tpu.memory_space<hbm>>
      tpu.wait_dma2 semaphore(%run_scoped3A : memref<!tpu.dma_semaphore, #tpu.memory_space<semaphore_mem>>) src(%dma_wait3A_9 : memref<512xi32, #tpu.memory_space<hbm>>) dst(%arg5 : memref<512xi32, #tpu.memory_space<vmem>>)
      tpu.yield
    }) : () -> ()
    %scan3A = arith.constant 0 : i32
    %scan3A_3 = arith.constant 0 : i32
    %scan3A_4 = arith.constant 64 : i32
    %scan3A_5 = arith.addi %scan3A_3, %scan3A_4 : i32
    %scan3A_6 = arith.constant 1 : i32
    scf.for %scan3A_8 = %scan3A_3 to %scan3A_5 step %scan3A_6  : i32 {
      %mul3A_9 = arith.constant 8 : i32
      %mul3A_10 = arith.muli %scan3A_8, %mul3A_9 : i32
      %dma_start3A = tpu.memref_slice %arg5[%mul3A_10] : memref<512xi32, #tpu.memory_space<vmem>> -> memref<8xi32, #tpu.memory_space<vmem>>
      %dma_start3A_11 = arith.constant 0 : i32
      %dma_start3A_12 = arith.constant 0 : i32
      %dma_start3A_13 = tpu.memref_slice %arg2[%dma_start3A_11, %dma_start3A_12] : memref<8192x8192xf32, #tpu.memory_space<hbm>> -> memref<8192x8192xf32, #tpu.memory_space<hbm>>
      tpu.enqueue_indirect_dma source(%dma_start3A_13 : memref<8192x8192xf32, #tpu.memory_space<hbm>>) target(%arg6 : memref<8x8192xf32, #tpu.memory_space<vmem>>) offsets(%dma_start3A : memref<8xi32, #tpu.memory_space<vmem>>) semaphore(%arg7 : memref<!tpu.dma_semaphore, #tpu.memory_space<semaphore_mem>>)
      %dma_wait3A = tpu.memref_slice %arg5[%mul3A_10] : memref<512xi32, #tpu.memory_space<vmem>> -> memref<8xi32, #tpu.memory_space<vmem>>
      %dma_wait3A_14 = arith.constant 0 : i32
      %dma_wait3A_15 = arith.constant 0 : i32
      %dma_wait3A_16 = tpu.memref_slice %arg2[%dma_wait3A_14, %dma_wait3A_15] : memref<8192x8192xf32, #tpu.memory_space<hbm>> -> memref<8192x8192xf32, #tpu.memory_space<hbm>>
      tpu.wait_indirect_dma semaphore(%arg7 : memref<!tpu.dma_semaphore, #tpu.memory_space<semaphore_mem>>) src(%dma_wait3A_16 : memref<8192x8192xf32, #tpu.memory_space<hbm>>) dst(%arg6 : memref<8x8192xf32, #tpu.memory_space<vmem>>)
      %add3A_17 = arith.addi %mul3A_2, %mul3A_10 : i32
      "tpu.region"() ({
        %run_scoped3A = tpu.sem_alloc : memref<!tpu.dma_semaphore, #tpu.memory_space<semaphore_mem>>
        %dma_start3A_18 = arith.constant 0 : i32
        %dma_start3A_19 = tpu.memref_slice %arg4[%add3A_17, %dma_start3A_18] : memref<16384x8192xf32, #tpu.memory_space<hbm>> -> memref<8x8192xf32, #tpu.memory_space<hbm>>
        %dma_start3A_20 = arith.constant 0 : i32
        %dma_start3A_21 = tpu.memref_slice %arg4[%add3A_17, %dma_start3A_20] : memref<16384x8192xf32, #tpu.memory_space<hbm>> -> memref<8x8192xf32, #tpu.memory_space<hbm>>
        tpu.enqueue_dma source(%arg6 : memref<8x8192xf32, #tpu.memory_space<vmem>>) target(%dma_start3A_21 : memref<8x8192xf32, #tpu.memory_space<hbm>>) target_semaphore(%run_scoped3A : memref<!tpu.dma_semaphore, #tpu.memory_space<semaphore_mem>>)
        %dma_wait3A_22 = arith.constant 0 : i32
        %dma_wait3A_23 = tpu.memref_slice %arg4[%add3A_17, %dma_wait3A_22] : memref<16384x8192xf32, #tpu.memory_space<hbm>> -> memref<8x8192xf32, #tpu.memory_space<hbm>>
        %dma_wait3A_24 = arith.constant 0 : i32
        %dma_wait3A_25 = tpu.memref_slice %arg4[%add3A_17, %dma_wait3A_24] : memref<16384x8192xf32, #tpu.memory_space<hbm>> -> memref<8x8192xf32, #tpu.memory_space<hbm>>
        tpu.wait_dma2 semaphore(%run_scoped3A : memref<!tpu.dma_semaphore, #tpu.memory_space<semaphore_mem>>) src(%arg6 : memref<8x8192xf32, #tpu.memory_space<vmem>>) dst(%dma_wait3A_25 : memref<8x8192xf32, #tpu.memory_space<hbm>>)
        tpu.yield
      }) : () -> ()
    }
    %scan3A_7 = arith.constant 64 : i32
    return
  }
}

#map = affine_map<(d0, d1) -> (0)>
#map1 = affine_map<(d0, d1) -> (0, 0)>
module attributes {stable_mosaic.version = 14 : i64} {
  func.func @k(%arg0: i32, %arg1: i32, %arg2: memref<8192xf32, #tpu.memory_space<hbm>>, %arg3: memref<524288x128xf32, #tpu.memory_space<hbm>>, %arg4: memref<16384xi32, #tpu.memory_space<hbm>>, %arg5: memref<16384xi32, #tpu.memory_space<hbm>>, %arg6: memref<32x16xf32, #tpu.memory_space<hbm>>, %arg7: memref<16384x128xf32, #tpu.memory_space<hbm>>, %arg8: memref<512xi32, #tpu.memory_space<vmem>>, %arg9: memref<512xi32, #tpu.memory_space<vmem>>, %arg10: memref<512xi32, #tpu.memory_space<vmem>>, %arg11: memref<512xf32, #tpu.memory_space<vmem>>, %arg12: memref<512x128xf32, #tpu.memory_space<vmem>>, %arg13: memref<16xf32, #tpu.memory_space<vmem>>, %arg14: memref<!tpu.dma_semaphore, #tpu.memory_space<semaphore_mem>>) attributes {dimension_semantics = [#tpu.dimension_semantics<core_parallel>, #tpu.dimension_semantics<subcore_parallel>], iteration_bounds = array<i64: 2, 16>, scalar_prefetch = 0 : i64, scratch_operands = 7 : i64, tpu.core_type = #tpu.core_type<sc_vector_subcore>, window_params = [{transform_indices = #map}, {transform_indices = #map1}, {transform_indices = #map}, {transform_indices = #map}, {transform_indices = #map1}, {transform_indices = #map1}]} {
    %mul3A = arith.constant 2 : i32
    %mul3A_0 = arith.muli %arg1, %mul3A : i32
    %add3A = arith.addi %mul3A_0, %arg0 : i32
    %mul3A_1 = arith.constant 512 : i32
    %mul3A_2 = arith.muli %add3A, %mul3A_1 : i32
    "tpu.region"() ({
      %run_scoped3A = tpu.sem_alloc : memref<!tpu.dma_semaphore, #tpu.memory_space<semaphore_mem>>
      %dma_start3A = tpu.memref_slice %arg4[%mul3A_2] : memref<16384xi32, #tpu.memory_space<hbm>> -> memref<512xi32, #tpu.memory_space<hbm>>
      %dma_start3A_24 = tpu.memref_slice %arg4[%mul3A_2] : memref<16384xi32, #tpu.memory_space<hbm>> -> memref<512xi32, #tpu.memory_space<hbm>>
      tpu.enqueue_dma source(%dma_start3A_24 : memref<512xi32, #tpu.memory_space<hbm>>) target(%arg8 : memref<512xi32, #tpu.memory_space<vmem>>) target_semaphore(%run_scoped3A : memref<!tpu.dma_semaphore, #tpu.memory_space<semaphore_mem>>)
      %dma_wait3A = tpu.memref_slice %arg4[%mul3A_2] : memref<16384xi32, #tpu.memory_space<hbm>> -> memref<512xi32, #tpu.memory_space<hbm>>
      %dma_wait3A_25 = tpu.memref_slice %arg4[%mul3A_2] : memref<16384xi32, #tpu.memory_space<hbm>> -> memref<512xi32, #tpu.memory_space<hbm>>
      tpu.wait_dma2 semaphore(%run_scoped3A : memref<!tpu.dma_semaphore, #tpu.memory_space<semaphore_mem>>) src(%dma_wait3A_25 : memref<512xi32, #tpu.memory_space<hbm>>) dst(%arg8 : memref<512xi32, #tpu.memory_space<vmem>>)
      tpu.yield
    }) : () -> ()
    "tpu.region"() ({
      %run_scoped3A = tpu.sem_alloc : memref<!tpu.dma_semaphore, #tpu.memory_space<semaphore_mem>>
      %dma_start3A = tpu.memref_slice %arg5[%mul3A_2] : memref<16384xi32, #tpu.memory_space<hbm>> -> memref<512xi32, #tpu.memory_space<hbm>>
      %dma_start3A_24 = tpu.memref_slice %arg5[%mul3A_2] : memref<16384xi32, #tpu.memory_space<hbm>> -> memref<512xi32, #tpu.memory_space<hbm>>
      tpu.enqueue_dma source(%dma_start3A_24 : memref<512xi32, #tpu.memory_space<hbm>>) target(%arg9 : memref<512xi32, #tpu.memory_space<vmem>>) target_semaphore(%run_scoped3A : memref<!tpu.dma_semaphore, #tpu.memory_space<semaphore_mem>>)
      %dma_wait3A = tpu.memref_slice %arg5[%mul3A_2] : memref<16384xi32, #tpu.memory_space<hbm>> -> memref<512xi32, #tpu.memory_space<hbm>>
      %dma_wait3A_25 = tpu.memref_slice %arg5[%mul3A_2] : memref<16384xi32, #tpu.memory_space<hbm>> -> memref<512xi32, #tpu.memory_space<hbm>>
      tpu.wait_dma2 semaphore(%run_scoped3A : memref<!tpu.dma_semaphore, #tpu.memory_space<semaphore_mem>>) src(%dma_wait3A_25 : memref<512xi32, #tpu.memory_space<hbm>>) dst(%arg9 : memref<512xi32, #tpu.memory_space<vmem>>)
      tpu.yield
    }) : () -> ()
    %scan3A = arith.constant 0 : i32
    %scan3A_3 = arith.constant 0 : i32
    %scan3A_4 = arith.constant 32 : i32
    %scan3A_5 = arith.addi %scan3A_3, %scan3A_4 : i32
    %scan3A_6 = arith.constant 1 : i32
    scf.for %scan3A_24 = %scan3A_3 to %scan3A_5 step %scan3A_6  : i32 {
      %mul3A_25 = arith.constant 16 : i32
      %mul3A_26 = arith.muli %scan3A_24, %mul3A_25 : i32
      %get3A = arith.index_cast %mul3A_26 : i32 to index
      %get3A_27 = tpu.vector_load %arg8[%get3A] {strides = array<i32>} : memref<512xi32, #tpu.memory_space<vmem>>, vector<16xi32>,
      %get3A_28 = vector.shape_cast %get3A_27 : vector<16xi32> to vector<16xi32>
      %mul3A_29 = arith.constant 64 : i32
      %mul3A_30 = vector.broadcast %mul3A_29 : i32 to vector<16xi32>
      %mul3A_31 = arith.muli %get3A_28, %mul3A_30 : vector<16xi32>
      %get3A_32 = arith.index_cast %mul3A_26 : i32 to index
      %get3A_33 = tpu.vector_load %arg9[%get3A_32] {strides = array<i32>} : memref<512xi32, #tpu.memory_space<vmem>>, vector<16xi32>,
      %get3A_34 = vector.shape_cast %get3A_33 : vector<16xi32> to vector<16xi32>
      %shift_right_arithmetic3A = arith.constant 7 : i32
      %shift_right_arithmetic3A_35 = vector.broadcast %shift_right_arithmetic3A : i32 to vector<16xi32>
      %shift_right_arithmetic3A_36 = arith.shrsi %get3A_34, %shift_right_arithmetic3A_35 : vector<16xi32>
      %add3A_37 = arith.addi %mul3A_31, %shift_right_arithmetic3A_36 : vector<16xi32>
      %swap3A_38 = arith.index_cast %mul3A_26 : i32 to index
      %swap3A_39 = tpu.vector_load %arg10[%swap3A_38] {strides = array<i32>} : memref<512xi32, #tpu.memory_space<vmem>>, vector<16xi32>,
      %swap3A_40 = vector.shape_cast %swap3A_39 : vector<16xi32> to vector<16xi32>
      %swap3A_41 = vector.shape_cast %add3A_37 : vector<16xi32> to vector<16xi32>
      tpu.vector_store %arg10[%swap3A_38], %swap3A_41 {strides = array<i32>} : memref<512xi32, #tpu.memory_space<vmem>>, vector<16xi32>,
    }
    %scan3A_7 = arith.constant 32 : i32
    %scan3A_8 = arith.constant 0 : i32
    %scan3A_9 = arith.constant 0 : i32
    %scan3A_10 = arith.constant 4 : i32
    %scan3A_11 = arith.addi %scan3A_9, %scan3A_10 : i32
    %scan3A_12 = arith.constant 1 : i32
    scf.for %scan3A_24 = %scan3A_9 to %scan3A_11 step %scan3A_12  : i32 {
      %mul3A_25 = arith.constant 128 : i32
      %mul3A_26 = arith.muli %scan3A_24, %mul3A_25 : i32
      %dma_start3A = tpu.memref_slice %arg11[%mul3A_26] : memref<512xf32, #tpu.memory_space<vmem>> -> memref<128xf32, #tpu.memory_space<vmem>>
      %dma_start3A_27 = tpu.memref_slice %arg8[%mul3A_26] : memref<512xi32, #tpu.memory_space<vmem>> -> memref<128xi32, #tpu.memory_space<vmem>>
      %dma_start3A_28 = arith.constant 0 : i32
      %dma_start3A_29 = tpu.memref_slice %arg2[%dma_start3A_28] : memref<8192xf32, #tpu.memory_space<hbm>> -> memref<8192xf32, #tpu.memory_space<hbm>>
      tpu.enqueue_indirect_dma source(%dma_start3A_29 : memref<8192xf32, #tpu.memory_space<hbm>>) target(%dma_start3A : memref<128xf32, #tpu.memory_space<vmem>>) offsets(%dma_start3A_27 : memref<128xi32, #tpu.memory_space<vmem>>) semaphore(%arg14 : memref<!tpu.dma_semaphore, #tpu.memory_space<semaphore_mem>>)
      %dma_wait3A = tpu.memref_slice %arg11[%mul3A_26] : memref<512xf32, #tpu.memory_space<vmem>> -> memref<128xf32, #tpu.memory_space<vmem>>
      %dma_wait3A_30 = tpu.memref_slice %arg8[%mul3A_26] : memref<512xi32, #tpu.memory_space<vmem>> -> memref<128xi32, #tpu.memory_space<vmem>>
      %dma_wait3A_31 = arith.constant 0 : i32
      %dma_wait3A_32 = tpu.memref_slice %arg2[%dma_wait3A_31] : memref<8192xf32, #tpu.memory_space<hbm>> -> memref<8192xf32, #tpu.memory_space<hbm>>
      tpu.wait_indirect_dma semaphore(%arg14 : memref<!tpu.dma_semaphore, #tpu.memory_space<semaphore_mem>>) src(%dma_wait3A_32 : memref<8192xf32, #tpu.memory_space<hbm>>) dst(%dma_wait3A : memref<128xf32, #tpu.memory_space<vmem>>)
      %dma_start3A_33 = arith.constant 0 : i32
      %dma_start3A_34 = tpu.memref_slice %arg12[%mul3A_26, %dma_start3A_33] : memref<512x128xf32, #tpu.memory_space<vmem>> -> memref<128x128xf32, #tpu.memory_space<vmem>>
      %dma_start3A_35 = tpu.memref_slice %arg10[%mul3A_26] : memref<512xi32, #tpu.memory_space<vmem>> -> memref<128xi32, #tpu.memory_space<vmem>>
      %dma_start3A_36 = arith.constant 0 : i32
      %dma_start3A_37 = arith.constant 0 : i32
      %dma_start3A_38 = tpu.memref_slice %arg3[%dma_start3A_36, %dma_start3A_37] : memref<524288x128xf32, #tpu.memory_space<hbm>> -> memref<524288x128xf32, #tpu.memory_space<hbm>>
      tpu.enqueue_indirect_dma source(%dma_start3A_38 : memref<524288x128xf32, #tpu.memory_space<hbm>>) target(%dma_start3A_34 : memref<128x128xf32, #tpu.memory_space<vmem>>) offsets(%dma_start3A_35 : memref<128xi32, #tpu.memory_space<vmem>>) semaphore(%arg14 : memref<!tpu.dma_semaphore, #tpu.memory_space<semaphore_mem>>)
      %dma_wait3A_39 = arith.constant 0 : i32
      %dma_wait3A_40 = tpu.memref_slice %arg12[%mul3A_26, %dma_wait3A_39] : memref<512x128xf32, #tpu.memory_space<vmem>> -> memref<128x128xf32, #tpu.memory_space<vmem>>
      %dma_wait3A_41 = tpu.memref_slice %arg10[%mul3A_26] : memref<512xi32, #tpu.memory_space<vmem>> -> memref<128xi32, #tpu.memory_space<vmem>>
      %dma_wait3A_42 = arith.constant 0 : i32
      %dma_wait3A_43 = arith.constant 0 : i32
      %dma_wait3A_44 = tpu.memref_slice %arg3[%dma_wait3A_42, %dma_wait3A_43] : memref<524288x128xf32, #tpu.memory_space<hbm>> -> memref<524288x128xf32, #tpu.memory_space<hbm>>
      tpu.wait_indirect_dma semaphore(%arg14 : memref<!tpu.dma_semaphore, #tpu.memory_space<semaphore_mem>>) src(%dma_wait3A_44 : memref<524288x128xf32, #tpu.memory_space<hbm>>) dst(%dma_wait3A_40 : memref<128x128xf32, #tpu.memory_space<vmem>>)
    }
    %scan3A_13 = arith.constant 4 : i32
    %broadcast_in_dim3A = arith.constant 0.000000e+00 : f32
    %broadcast_in_dim3A_14 = vector.broadcast %broadcast_in_dim3A : f32 to vector<16xf32>
    %scan3A_15 = arith.constant 0 : i32
    %scan3A_16 = arith.constant 32 : i32
    %scan3A_17 = arith.addi %scan3A_15, %scan3A_16 : i32
    %scan3A_18 = arith.constant 1 : i32
    %scan3A_19 = scf.for %scan3A_24 = %scan3A_15 to %scan3A_17 step %scan3A_18 iter_args(%scan3A_25 = %broadcast_in_dim3A_14) -> (vector<16xf32>)  : i32 {
      %mul3A_26 = arith.constant 16 : i32
      %mul3A_27 = arith.muli %scan3A_24, %mul3A_26 : i32
      %get3A = arith.index_cast %mul3A_27 : i32 to index
      %get3A_28 = tpu.vector_load %arg11[%get3A] {strides = array<i32>} : memref<512xf32, #tpu.memory_space<vmem>>, vector<16xf32>,
      %get3A_29 = vector.shape_cast %get3A_28 : vector<16xf32> to vector<16xf32>
      %add3A_30 = arith.addf %scan3A_25, %get3A_29 : vector<16xf32>
      scf.yield %add3A_30 : vector<16xf32>
    }
    %scan3A_20 = arith.constant 32 : i32
    %swap3A = arith.constant 0 : index
    %swap3A_21 = tpu.vector_load %arg13[%swap3A] {strides = array<i32>} : memref<16xf32, #tpu.memory_space<vmem>>, vector<16xf32>,
    %swap3A_22 = vector.shape_cast %swap3A_21 : vector<16xf32> to vector<16xf32>
    %swap3A_23 = vector.shape_cast %scan3A_19 : vector<16xf32> to vector<16xf32>
    tpu.vector_store %arg13[%swap3A], %swap3A_23 {strides = array<i32>} : memref<16xf32, #tpu.memory_space<vmem>>, vector<16xf32>,
    "tpu.region"() ({
      %run_scoped3A = tpu.sem_alloc : memref<!tpu.dma_semaphore, #tpu.memory_space<semaphore_mem>>
      %dma_start3A = arith.constant 0 : i32
      %dma_start3A_24 = tpu.memref_slice %arg6[%add3A, %dma_start3A] : memref<32x16xf32, #tpu.memory_space<hbm>> -> memref<1x16xf32, #tpu.memory_space<hbm>>
      %dma_start3A_25 = tpu.memref_squeeze %dma_start3A_24 : memref<1x16xf32, #tpu.memory_space<hbm>> -> memref<16xf32, #tpu.memory_space<hbm>>
      %dma_start3A_26 = arith.constant 0 : i32
      %dma_start3A_27 = tpu.memref_slice %arg6[%add3A, %dma_start3A_26] : memref<32x16xf32, #tpu.memory_space<hbm>> -> memref<1x16xf32, #tpu.memory_space<hbm>>
      %dma_start3A_28 = tpu.memref_squeeze %dma_start3A_27 : memref<1x16xf32, #tpu.memory_space<hbm>> -> memref<16xf32, #tpu.memory_space<hbm>>
      tpu.enqueue_dma source(%arg13 : memref<16xf32, #tpu.memory_space<vmem>>) target(%dma_start3A_28 : memref<16xf32, #tpu.memory_space<hbm>>) target_semaphore(%run_scoped3A : memref<!tpu.dma_semaphore, #tpu.memory_space<semaphore_mem>>)
      %dma_wait3A = arith.constant 0 : i32
      %dma_wait3A_29 = tpu.memref_slice %arg6[%add3A, %dma_wait3A] : memref<32x16xf32, #tpu.memory_space<hbm>> -> memref<1x16xf32, #tpu.memory_space<hbm>>
      %dma_wait3A_30 = tpu.memref_squeeze %dma_wait3A_29 : memref<1x16xf32, #tpu.memory_space<hbm>> -> memref<16xf32, #tpu.memory_space<hbm>>
      %dma_wait3A_31 = arith.constant 0 : i32
      %dma_wait3A_32 = tpu.memref_slice %arg6[%add3A, %dma_wait3A_31] : memref<32x16xf32, #tpu.memory_space<hbm>> -> memref<1x16xf32, #tpu.memory_space<hbm>>
      %dma_wait3A_33 = tpu.memref_squeeze %dma_wait3A_32 : memref<1x16xf32, #tpu.memory_space<hbm>> -> memref<16xf32, #tpu.memory_space<hbm>>
      tpu.wait_dma2 semaphore(%run_scoped3A : memref<!tpu.dma_semaphore, #tpu.memory_space<semaphore_mem>>) src(%arg13 : memref<16xf32, #tpu.memory_space<vmem>>) dst(%dma_wait3A_33 : memref<16xf32, #tpu.memory_space<hbm>>)
      tpu.yield
    }) : () -> ()
    "tpu.region"() ({
      %run_scoped3A = tpu.sem_alloc : memref<!tpu.dma_semaphore, #tpu.memory_space<semaphore_mem>>
      %dma_start3A = arith.constant 0 : i32
      %dma_start3A_24 = tpu.memref_slice %arg7[%mul3A_2, %dma_start3A] : memref<16384x128xf32, #tpu.memory_space<hbm>> -> memref<512x128xf32, #tpu.memory_space<hbm>>
      %dma_start3A_25 = arith.constant 0 : i32
      %dma_start3A_26 = tpu.memref_slice %arg7[%mul3A_2, %dma_start3A_25] : memref<16384x128xf32, #tpu.memory_space<hbm>> -> memref<512x128xf32, #tpu.memory_space<hbm>>
      tpu.enqueue_dma source(%arg12 : memref<512x128xf32, #tpu.memory_space<vmem>>) target(%dma_start3A_26 : memref<512x128xf32, #tpu.memory_space<hbm>>) target_semaphore(%run_scoped3A : memref<!tpu.dma_semaphore, #tpu.memory_space<semaphore_mem>>)
      %dma_wait3A = arith.constant 0 : i32
      %dma_wait3A_27 = tpu.memref_slice %arg7[%mul3A_2, %dma_wait3A] : memref<16384x128xf32, #tpu.memory_space<hbm>> -> memref<512x128xf32, #tpu.memory_space<hbm>>
      %dma_wait3A_28 = arith.constant 0 : i32
      %dma_wait3A_29 = tpu.memref_slice %arg7[%mul3A_2, %dma_wait3A_28] : memref<16384x128xf32, #tpu.memory_space<hbm>> -> memref<512x128xf32, #tpu.memory_space<hbm>>
      tpu.wait_dma2 semaphore(%run_scoped3A : memref<!tpu.dma_semaphore, #tpu.memory_space<semaphore_mem>>) src(%arg12 : memref<512x128xf32, #tpu.memory_space<vmem>>) dst(%dma_wait3A_29 : memref<512x128xf32, #tpu.memory_space<hbm>>)
      tpu.yield
    }) : () -> ()
    return
  }
}

module attributes {stable_mosaic.version = 14 : i64} {
  func.func @_lse_body(%arg0: i32, %arg1: memref<256x8192xf32, #tpu.memory_space<vmem>>, %arg2: memref<256x1xf32, #tpu.memory_space<vmem>>) attributes {dimension_semantics = [#tpu.dimension_semantics<arbitrary>], iteration_bounds = array<i64: 32>, scalar_prefetch = 0 : i64, scratch_operands = 0 : i64, tpu.core_type = #tpu.core_type<tc>, window_params = [{transform_indices = @transform_0, window_bounds = array<i64: 256, 8192>}, {transform_indices = @transform_1, window_bounds = array<i64: 256, 1>}]} {
    %get3A = arith.constant 0 : index
    %get3A_0 = arith.constant 0 : index
    %get3A_1 = vector.load %arg1[%get3A, %get3A_0] : memref<256x8192xf32, #tpu.memory_space<vmem>>, vector<256x8192xf32>
    %reduce_max3A = arith.constant dense<0xFF800000> : vector<256xf32>
    %reduce_max3A_2 = vector.multi_reduction <maximumf>, %get3A_1, %reduce_max3A [1] : vector<256x8192xf32> to vector<256xf32>
    %broadcast_in_dim3A = vector.shape_cast %reduce_max3A_2 : vector<256xf32> to vector<256x1xf32>
    %sub3A = vector.broadcast %broadcast_in_dim3A : vector<256x1xf32> to vector<256x8192xf32>
    %sub3A_3 = arith.subf %get3A_1, %sub3A : vector<256x8192xf32>
    %exp3A = math.exp %sub3A_3 : vector<256x8192xf32>
    %reduce_sum3A = arith.constant dense<0.000000e+00> : vector<256xf32>
    %reduce_sum3A_4 = vector.multi_reduction <add>, %exp3A, %reduce_sum3A [1] : vector<256x8192xf32> to vector<256xf32>
    %broadcast_in_dim3A_5 = vector.shape_cast %reduce_sum3A_4 : vector<256xf32> to vector<256x1xf32>
    %log3A = math.log %broadcast_in_dim3A_5 : vector<256x1xf32>
    %add3A = arith.addf %log3A, %broadcast_in_dim3A : vector<256x1xf32>
    %swap3A = arith.constant 0 : index
    %swap3A_6 = arith.constant 0 : index
    %swap3A_7 = vector.load %arg2[%swap3A, %swap3A_6] : memref<256x1xf32, #tpu.memory_space<vmem>>, vector<256x1xf32>
    tpu.vector_store %arg2[%swap3A, %swap3A_6], %add3A {strides = array<i32>} : memref<256x1xf32, #tpu.memory_space<vmem>>, vector<256x1xf32>,
    return
  }
  func.func @transform_0(%arg0: i32) -> (i32, i32) {
    %c0_i32 = arith.constant 0 : i32
    %c0_i32_0 = arith.constant 0 : i32
    return %arg0, %c0_i32 : i32, i32
  }
  func.func @transform_1(%arg0: i32) -> (i32, i32) {
    %c0_i32 = arith.constant 0 : i32
    %c0_i32_0 = arith.constant 0 : i32
    return %arg0, %c0_i32 : i32, i32
  }
}

module attributes {stable_mosaic.version = 14 : i64} {
  func.func @_loss_body(%arg0: memref<32x16xf32, #tpu.memory_space<vmem>>, %arg1: memref<16384x128xf32, #tpu.memory_space<vmem>>, %arg2: memref<16384x1xi32, #tpu.memory_space<vmem>>, %arg3: memref<1x1xf32, #tpu.memory_space<vmem>>) attributes {dimension_semantics = [], scalar_prefetch = 0 : i64, scratch_operands = 0 : i64, tpu.core_type = #tpu.core_type<tc>} {
    %iota3A = tpu.iota {dimensions = array<i32: 1>} : vector<16384x128xi32>
    %get3A = arith.constant 0 : index
    %get3A_0 = arith.constant 0 : index
    %get3A_1 = vector.load %arg2[%get3A, %get3A_0] : memref<16384x1xi32, #tpu.memory_space<vmem>>, vector<16384x1xi32>
    %and3A = arith.constant 127 : i32
    %and3A_2 = vector.broadcast %and3A : i32 to vector<16384x1xi32>
    %and3A_3 = arith.andi %get3A_1, %and3A_2 : vector<16384x1xi32>
    %eq3A = vector.broadcast %and3A_3 : vector<16384x1xi32> to vector<16384x128xi32>
    %eq3A_4 = arith.cmpi eq, %iota3A, %eq3A : vector<16384x128xi32>
    %get3A_5 = arith.constant 0 : index
    %get3A_6 = arith.constant 0 : index
    %get3A_7 = vector.load %arg1[%get3A_5, %get3A_6] : memref<16384x128xf32, #tpu.memory_space<vmem>>, vector<16384x128xf32>
    %jit3A = arith.constant 0.000000e+00 : f32
    %broadcast_in_dim3A = vector.broadcast %jit3A : f32 to vector<16384x128xf32>
    %select_n3A = arith.select %eq3A_4, %get3A_7, %broadcast_in_dim3A : vector<16384x128xi1>, vector<16384x128xf32>
    %get3A_8 = arith.constant 0 : index
    %get3A_9 = arith.constant 0 : index
    %get3A_10 = vector.load %arg0[%get3A_8, %get3A_9] : memref<32x16xf32, #tpu.memory_space<vmem>>, vector<32x16xf32>
    %reduce_sum3A = vector.shape_cast %get3A_10 : vector<32x16xf32> to vector<1x32x16xf32>
    %reduce_sum3A_11 = arith.constant dense<0.000000e+00> : vector<1xf32>
    %reduce_sum3A_12 = vector.multi_reduction <add>, %reduce_sum3A, %reduce_sum3A_11 [1, 2] : vector<1x32x16xf32> to vector<1xf32>
    %reduce_sum3A_13 = vector.shape_cast %reduce_sum3A_12 : vector<1xf32> to vector<1x1x1xf32>
    %reduce_sum3A_14 = vector.extract %reduce_sum3A_13[0, 0, 0] : f32 from vector<1x1x1xf32>
    %reduce_sum3A_15 = vector.shape_cast %select_n3A : vector<16384x128xf32> to vector<1x16384x128xf32>
    %reduce_sum3A_16 = arith.constant dense<0.000000e+00> : vector<1xf32>
    %reduce_sum3A_17 = vector.multi_reduction <add>, %reduce_sum3A_15, %reduce_sum3A_16 [1, 2] : vector<1x16384x128xf32> to vector<1xf32>
    %reduce_sum3A_18 = vector.shape_cast %reduce_sum3A_17 : vector<1xf32> to vector<1x1x1xf32>
    %reduce_sum3A_19 = vector.extract %reduce_sum3A_18[0, 0, 0] : f32 from vector<1x1x1xf32>
    %sub3A = arith.subf %reduce_sum3A_14, %reduce_sum3A_19 : f32
    %div3A = arith.constant 1.638400e+04 : f32
    %div3A_20 = arith.divf %sub3A, %div3A : f32
    %reshape3A = vector.broadcast %div3A_20 : f32 to vector<1x1xf32>
    %swap3A = arith.constant 0 : index
    %swap3A_21 = arith.constant 0 : index
    %swap3A_22 = vector.load %arg3[%swap3A, %swap3A_21] : memref<1x1xf32, #tpu.memory_space<vmem>>, vector<1x1xf32>
    tpu.vector_store %arg3[%swap3A, %swap3A_21], %reshape3A {strides = array<i32>} : memref<1x1xf32, #tpu.memory_space<vmem>>, vector<1x1xf32>,
    return
  }
}

</mosaic_0001>

<sc_bundles>
// kernel: kernel.6.cloned.1.call-start
scs
__scs_entry_jumppad:
0x0: {  	(pc) =	sbr.rel $0x88, $3  }
0x1: {  	(tag) =	ssettag $0x0;
	lr =	simm.s32 $0x1  }
0x2: {  	[smem:$0x3F9E] =	sst lr;
	_ =	strace $0xD0000000  }
0x3: {  	_ = 	snop  }
0x4: {  	_ = 	snop  }
0x5: {  	_ = 	snop  }
0x6: {  	_ = 	snop  }
0x7: {  	_ = 	snop  }
__scs_overlays_trampoline_lowered:
0x8: {  	[smem:$0x3FAD] =	sst s0  }
0x9: {  	[smem:$0x3FAE] =	sst s1  }
0xa: {  	[smem:$0x3FAF] =	sst s2  }
0xb: {  	[smem:$0x3FB0] =	sst s3  }
0xc: {  	[smem:$0x3FB1] =	sst s4  }
0xd: {  	[smem:$0x3FB2] =	sst s5  }
0xe: {  	[smem:$0x3FB3] =	sst s6  }
0xf: {  	[smem:$0x3FB4] =	sst s7  }
0x10: {  	[smem:$0x3FB5] =	sst s8  }
0x11: {  	[smem:$0x3FB6] =	sst s9;
	s0 =	simm.s32 @!p0 $0x0  }
0x12: {  	s1 =	sld [smem:$0x3F9C];
	s0 =	simm.s32 @p0 $0x1  }
0x13: {  	[smem:$0x3FB7] =	sst s0;
	s0 =	simm.s32 @!p1 $0x0  }
0x14: {  	s2 =	sld [smem:$0x3F9B];
	s0 =	simm.s32 @p1 $0x1  }
0x15: {  	[smem:$0x3FB8] =	sst s0;
	s0 =	simm.s32 @!p2 $0x0  }
0x16: {  	s3 =	sld [smem:$0x3FDB];
	s0 =	simm.s32 @p2 $0x1  }
0x17: {  	s4 =	simm.s32 $0x1BF5;
	[smem:$0x3FBA] =	sst s0  }
0x18: {  	s0 =	sld [smem:$0x3F9D];
	_ =	swait.ge [sflag:s4], $0x0  }
0x19: {  	s7 =	sld [smem:$0x3F9E]  }
0x1a: {  	s8 =	sadd.s32 $0xFFFFE003, lr  }
0x1b: {  	s9 =	sadd.s32 $0xFFFFFEF7, lr;
	s5 =	simm.s32 $0xFFFFFFFF;
	p2 =	slt.u32 s8, $0xFFFFF086  }
0x1c: {  	p1 =	slt.u32 s9, $0xF7A;
	s5 =	simm.s32 @!p2 $0x0  }
0x1d: {  	s5 =	simm.s32 @p1 $0x1;
	p0 =	seq.s32 s7, s2  }
0x1e: {  	s7 =	smul.u32 @!p0 $0xF7A, s2;
	p2 =	seq.s32 @!p0 s5, $0x0  }
0x1f: {  	s9 =	smul.u32 $0xF7A, s1;
	s8 =	simm.s32 @!p0 $0x1BF5;
	p2 =	por !p2, p0  }
0x20: {  	[sflag:s8] =	ssyncset.s32 @!p0 $0xFFFFF086;
	s6 =	sadd.s32 @!p0 s3, s7;
	s7 =	simm.s32 @!p0 $0x108  }
0x21: {  	s3 =	sadd.s32 s3, s9;
	s6 =	sadd.s32 @!p0 $0x88, s6;
	s7 =	simm.s32 @p2 $0x1082  }
0x22: {  	[simem:s7], [sflag:s8] =	dma.local @!p0 [hbm:s6], $0xF7A  }
0x23: {  	s9 =	sor.u32 $0xD0000000, s2;
	s6 =	simm.s32 $0x108;
	_ =	swait.ge @!p0 [sflag:s8], $0x0  }
0x24: {  	s3 =	sadd.s32 $0x88, s3;
	s6 =	simm.s32 @!p1 $0x1082;
	[sflag:s4] =	ssyncset.s32 $0xFFFFF086  }
0x25: {  	[simem:s6], [sflag:s4] =	dma.local [hbm:s3], $0xF7A  }
0x26: {  	[smem:$0x3F9E] =	sst s1;
	(tag) =	ssettag s2;
	_ =	strace s9  }
0x27: {  	s1 =	sld [smem:$0x3FAE]  }
0x28: {  	s2 =	sld [smem:$0x3FAF]  }
0x29: {  	s4 =	sld [smem:$0x3FB1]  }
0x2a: {  	p0 =	seq.s32 s5, $0x0;
	s5 =	sld [smem:$0x3FB2]  }
0x2b: {  	s6 =	sld [smem:$0x3FB3]  }
0x2c: {  	s7 =	sld [smem:$0x3FB4]  }
0x2d: {  	s3 =	simm.s32 $0x108;
	s8 =	sld [smem:$0x3FB5]  }
0x2e: {  	s3 =	simm.s32 @!p0 $0x1082;
	s9 =	sld [smem:$0x3FB6]  }
0x2f: {  	lr =	sadd.s32 s0, s3;
	s0 =	sld [smem:$0x3FAD]  }
0x30: {  	s3 =	sld [smem:$0x3FB0]  }
0x31: {  	[smem:$0x3FB9] =	sst s10  }
0x32: {  	s10 =	sld [smem:$0x3FB7];
	_ =	sdelay $0x3  }
0x33: {  	p0 =	seq.s32 s10, $0x1;
	s10 =	sld [smem:$0x3FB9];
	_ =	sdelay $0x3  }
0x34: {  	[smem:$0x3FB9] =	sst s10  }
0x35: {  	s10 =	sld [smem:$0x3FB8];
	_ =	sdelay $0x3  }
0x36: {  	p1 =	seq.s32 s10, $0x1;
	s10 =	sld [smem:$0x3FB9];
	_ =	sdelay $0x3  }
0x37: {  	[smem:$0x3FB9] =	sst s10  }
0x38: {  	s10 =	sld [smem:$0x3FBA]  }
0x39: {  	_ = 	snop;
	(pc) =	sbr.ind lr, $3  }
0x3a: {  	_ = 	snop  }
0x3b: {  	_ = 	snop  }
0x3c: {  	p2 =	seq.s32 s10, $0x1;
	s10 =	sld [smem:$0x3FB9]  }
0x3d: {  	_ =	shalt  }
0x3e: {  	_ =	shalt  }
0x3f: {  	_ =	shalt  }
0x40: {  	_ =	shalt  }
0x41: {  	_ =	shalt  }
0x42: {  	_ =	shalt  }
0x43: {  	_ =	shalt  }
0x44: {  	_ =	shalt  }
0x45: {  	_ =	shalt  }
0x46: {  	_ =	shalt  }
0x47: {  	_ =	shalt  }
0x48: {  	_ =	shalt  }
0x49: {  	_ =	shalt  }
0x4a: {  	_ =	shalt  }
0x4b: {  	_ =	shalt  }
0x4c: {  	_ =	shalt  }
0x4d: {  	_ =	shalt  }
0x4e: {  	_ =	shalt  }
0x4f: {  	_ =	shalt  }
0x50: {  	_ =	shalt  }
0x51: {  	_ =	shalt  }
0x52: {  	_ =	shalt  }
0x53: {  	_ =	shalt  }
0x54: {  	_ =	shalt  }
0x55: {  	_ =	shalt  }
0x56: {  	_ =	shalt  }
0x57: {  	_ =	shalt  }
0x58: {  	_ =	shalt  }
0x59: {  	_ =	shalt  }
0x5a: {  	_ =	shalt  }
0x5b: {  	_ =	shalt  }
0x5c: {  	_ =	shalt  }
0x5d: {  	_ =	shalt  }
0x5e: {  	_ =	shalt  }
0x5f: {  	_ =	shalt  }
0x60: {  	_ =	shalt  }
0x61: {  	_ =	shalt  }
0x62: {  	_ =	shalt  }
0x63: {  	_ =	shalt  }
0x64: {  	_ =	shalt  }
0x65: {  	_ =	shalt  }
0x66: {  	_ =	shalt  }
0x67: {  	_ =	shalt  }
0x68: {  	_ =	shalt  }
0x69: {  	_ =	shalt  }
0x6a: {  	_ =	shalt  }
0x6b: {  	_ =	shalt  }
0x6c: {  	_ =	shalt  }
0x6d: {  	_ =	shalt  }
0x6e: {  	_ =	shalt  }
0x6f: {  	_ =	shalt  }
0x70: {  	_ =	shalt  }
0x71: {  	_ =	shalt  }
0x72: {  	_ =	shalt  }
0x73: {  	_ =	shalt  }
0x74: {  	_ =	shalt  }
0x75: {  	_ =	shalt  }
0x76: {  	_ =	shalt  }
0x77: {  	_ =	shalt  }
0x78: {  	_ =	shalt  }
0x79: {  	_ =	shalt  }
0x7a: {  	_ =	shalt  }
0x7b: {  	_ =	shalt  }
0x7c: {  	_ =	shalt  }
0x7d: {  	_ =	shalt  }
0x7e: {  	_ =	shalt  }
0x7f: {  	_ =	shalt  }
0x80: {  	_ =	shalt  }
0x81: {  	_ =	shalt  }
0x82: {  	_ =	shalt  }
0x83: {  	_ =	shalt  }
0x84: {  	_ =	shalt  }
0x85: {  	_ =	shalt  }
0x86: {  	_ =	shalt  }
0x87: {  	_ =	shalt  }
.Lfunc_end0:
.L_simem_size_0:
called_computation_lowered:
.L_overlay_start_0:
0x88: {  	s2 =	sld [smem:$0x3FD9]  }
0x89: {  	s3 =	sld [smem:$0x3FFE];
	_ =	sdelay $0x1  }
0x8a: {  	s1 =	srdreg.scid  }
0x8b: {  	s0 =	sand.u32 $0x1, s1  }
0x8c: {  	s15 =	sshll.u32 s0, $0xA;
	s2 =	sadd.s32 s3, s2  }
0x8d: {  	s2 =	sadd.s32 s2, s15  }
0x8e: {  	[smem:$0x3FC5] =	sst s2  }
0x8f: {  	_ = 	snop  }
0x90: {  	s16 =	sld [smem:$0x3FD0];
	_ =	sdelay $0x2  }
0x91: {  	s4 =	simm.s32 $0xB;
	s5 =	simm.s32 $0x10;
	s2 =	sld [smem:$0x3FC7]  }
0x92: {  	[smem:s5], [sflag:s4] =	dma.local [hbm:s16], $0x1  }
0x93: {  	_ =	swait.eq [sflag:s4], $0x1  }
0x94: {  	[sflag:s4] =	ssyncset.done $0x0  }
0x95: {  	[sflag:s4] =	ssyncadd.s32 $0xFFFFFFFF  }
0x96: {  	s17 =	sld [smem:$0x10];
	(tm) =	ssettm $0x1  }
0x97: {  	s18 =	sld [smem:$0x3FFB];
	_ =	sdelay $0x3  }
0x98: {  	_ =	strace s18  }
0x99: {  	s3 =	sld [smem:$0x3FFC];
	_ =	sdelay $0x3  }
0x9a: {  	_ =	strace s3  }
0x9b: {  	s3 =	sld [smem:$0x3FFD];
	_ =	sdelay $0x3  }
0x9c: {  	_ =	strace s3  }
0x9d: {  	_ =	strace $0x8FFFFFFF  }
0x9e: {  	s19 =	sld [smem:$0x3FDB];
	_ =	sdelay $0x1  }
0x9f: {  	s20 =	simm.s32 $_scs_section_size  }
0xa0: {  	s6 =	simm.s32 $_size__tile_overlayer_lowered;
	s7 =	simm.s32 $_tile_overlayer_lowered  }
0xa1: {  	s8 =	simm.s32 $0x1BFF;
	s21 =	sshll.u32 s7, $0x1;
	s5 =	sadd.s32 s20, s19  }
0xa2: {  	s22 =	simm.s32 $0x0;
	s6 =	sshll.u32 s6, $0x1;
	s7 =	sadd.s32 s21, s5  }
0xa3: {  	[timem:s22], [sflag:s8] =	dma.local [hbm:s7], s6  }
0xa4: {  	_ =	swait.ge [sflag:s8], s6  }
0xa5: {  	s6 =	ssub.s32 $0x0, s6;
	[sflag:s8] =	ssyncset.done $0x0  }
0xa6: {  	[sflag:s8] =	ssyncadd.s32 s6;
	_ =	sdelay $0x1  }
0xa7: {  	s23 =	simm.s32 $0x1B8B  }
0xa8: {  	_ =	swait.ge [sflag:s23], $0x1  }
0xa9: {  	[sflag:s23] =	ssyncset.done $0x0  }
0xaa: {  	[sflag:s23] =	ssyncadd.s32 $0xFFFFFFFF  }
0xab: {  	s6 =	sld [smem:$0x0]  }
0xac: {  	s7 =	sand.u32 $0xFFFFFFFE, s1  }
0xad: {  	p0 =	sne.s32 s1, s7  }
0xae: {  	s7 =	sshll.u32 @p0 s7, $0xE  }
0xaf: {  	s7 =	sadd.s32 @p0 $0x11B8D, s7;
	s8 =	sshll.u32 @p0 s6, $0x11  }
0xb0: {  	s7 =	sor.u32 @p0 s8, s7  }
0xb1: {  	[sflag:s7] =	ssyncadd.remote.s32 @p0 $0x1;
	_ =	sdelay $0x1  }
0xb2: {  	s7 =	simm.s32 @p0 $0x1B8D  }
0xb3: {  	_ =	swait.eq @p0 [sflag:s7], $0x1  }
0xb4: {  	[sflag:s7] =	ssyncadd.s32 @p0 $0xFFFFFFFF  }
0xb5: {  	s8 =	sshll.u32 @!p0 s1, $0xE  }
0xb6: {  	s8 =	sor.u32 @!p0 $0x4000, s8;
	s7 =	simm.s32 @!p0 $0x1B8D  }
0xb7: {  	s6 =	sshll.u32 @!p0 s6, $0x11;
	s8 =	sadd.s32 @!p0 $0x11B8D, s8;
	_ =	swait.eq @!p0 [sflag:s7], $0x1  }
0xb8: {  	s6 =	sor.u32 @!p0 s6, s8;
	[sflag:s7] =	ssyncadd.s32 @!p0 $0xFFFFFFFF  }
0xb9: {  	s25 =	simm.s32 $0x1B8E;
	s24 =	sld [smem:$0x3FFE];
	[sflag:s6] =	ssyncadd.remote.s32 @!p0 $0x1  }
0xba: {  	s26 =	simm.s32 $execute0_lowered;
	[smem:$0x3FD2] =	sst s25  }
0xbb: {  	s7 =	sshll.u32 s26, $0x1;
	_ =	strace $0x80000049;
	[dreg:$0x1] =	wrdreg $0xFFFFFFFF  }
0xbc: {  	s28 =	simm.s32 $_size_execute0_lowered;
	s5 =	sadd.s32 s5, s7;
	[dreg:$0x0] =	wrdreg $0x0  }
0xbd: {  	s7 =	sshll.u32 s28, $0x1;
	[dreg:$0x2] =	wrdreg s5  }
0xbe: {  	[dreg:$0x3] =	wrdreg s7  }
0xbf: {  	[dreg:$0x4] =	wrdreg $0xC0  }
0xc0: {  	_ =	task [dreg:s22], $0x5FFFF  }
0xc1: {  	[dreg:$0x1] =	wrdreg $0xFFFFFFFF  }
0xc2: {  	[dreg:$0x0] =	wrdreg $0x60  }
0xc3: {  	[dreg:$0x2] =	wrdreg s2  }
0xc4: {  	[dreg:$0x3] =	wrdreg s24  }
0xc5: {  	[dreg:$0x4] =	wrdreg s17  }
0xc6: {  	[dreg:$0x5] =	wrdreg $0x9  }
0xc7: {  	_ =	task.clear_ibuf [dreg:s22], $0x6FFFF;
	_ =	strace $0x90000049  }
0xc8: {  	s29 =	simm.s32 $0x9;
	_ =	strace $0x8000004B  }
0xc9: {  	_ =	swait.ge [sflag:s29], $0x1  }
0xca: {  	[sflag:s29] =	ssyncadd.s32 $0xFFFFFFFF  }
0xcb: {  	_ =	strace $0x9000004B  }
0xcc: {  	_ =	sfence  }
0xcd: {  	s30 =	sld [smem:$0x0];
	_ =	sdelay $0x2  }
0xce: {  	s31 =	sshll.u32 s1, $0xD;
	s1 =	sshrl.u32 s1, $0x2  }
0xcf: {  	s4 =	sand.u32 $0x4000, s31;
	s1 =	sadd.s32 s1, s30  }
0xd0: {  	s0 =	sor.u32 s4, s0;
	s1 =	sshll.u32 s1, $0x11  }
0xd1: {  	s0 =	sor.u32 s1, s0  }
0xd2: {  	s0 =	sadd.s32 $0x8F2B, s0  }
0xd3: {  	[sflag:s0] =	ssyncadd.remote.s32 $0x1  }
0xd4: {  	_ =	sfence.sel $0xFFFF  }
0xd5: {  	[dreg:$0x0] =	wrdreg $0xFFFFFFFF;
	(pc) =	sbr.abs _section_cstart, $3  }
0xd6: {  	[dreg:$0x1] =	wrdreg $0xFFFFFFFF  }
0xd7: {  	_ =	task.clear_ibuf [dreg:s22], $0x2FFFF;
	_ =	strace $0x9FFFFFFF  }
0xd8: {  	(tm) =	ssettm $0x7FFFFFFF  }
0xd9: {  	_ =	shalt  }
tec
execute0_lowered:
.L_overlay_start_1:
0x0: {  	(tag) =	ssettag $0x1  }
0x1: {  	s1 =	rddreg [dreg:$0x0]  }
0x2: {  	s3 =	rddreg [dreg:$0x1]  }
0x3: {  	s0 =	rddreg [dreg:$0x2];
	s2 =	simm.s32 $0x0  }
0x4: {  	[smem:$0x7FF] =	sst s2;
	s4 =	sadd.s32 $0x100, s1  }
0x5: {  	s22 =	sadd.s32 $0x200, s1;
	_ =	strace $0x8000004A;
	[dreg:$0x4] =	wrdreg s4  }
0x6: {  	s23 =	sadd.s32 $0x300, s1;
	[dreg:$0x5] =	wrdreg s22  }
0x7: {  	s24 =	sadd.s32 $0x400, s1;
	[dreg:$0x6] =	wrdreg s23  }
0x8: {  	s25 =	sadd.s32 $0x500, s1;
	[dreg:$0x7] =	wrdreg s24  }
0x9: {  	s26 =	sadd.s32 $0x600, s1;
	[dreg:$0x8] =	wrdreg s25  }
0xa: {  	s5 =	sadd.s32 $0x700, s1;
	[dreg:$0x9] =	wrdreg s26  }
0xb: {  	s6 =	sadd.s32 $0x800, s1;
	[dreg:$0xa] =	wrdreg s5  }
0xc: {  	s7 =	sadd.s32 $0x900, s1;
	[dreg:$0xb] =	wrdreg s6  }
0xd: {  	s8 =	sadd.s32 $0xA00, s1;
	[dreg:$0xc] =	wrdreg s7  }
0xe: {  	s9 =	sadd.s32 $0xB00, s1;
	[dreg:$0xd] =	wrdreg s8  }
0xf: {  	s10 =	sadd.s32 $0xC00, s1;
	[dreg:$0xe] =	wrdreg s9  }
0x10: {  	s11 =	sadd.s32 $0xD00, s1;
	[dreg:$0xf] =	wrdreg s10  }
0x11: {  	s12 =	sadd.s32 $0xE00, s1;
	[dreg:$0x10] =	wrdreg s11  }
0x12: {  	s13 =	sadd.s32 $0xF00, s1;
	[dreg:$0x11] =	wrdreg s12  }
0x13: {  	s14 =	sadd.s32 $0x1000, s1;
	[dreg:$0x12] =	wrdreg s13  }
0x14: {  	s15 =	sadd.s32 $0x1100, s1;
	[dreg:$0x13] =	wrdreg s14  }
0x15: {  	s16 =	sadd.s32 $0x1200, s1;
	[dreg:$0x14] =	wrdreg s15  }
0x16: {  	s17 =	sadd.s32 $0x1300, s1;
	[dreg:$0x15] =	wrdreg s16  }
0x17: {  	s18 =	sadd.s32 $0x1400, s1;
	[dreg:$0x16] =	wrdreg s17  }
0x18: {  	s19 =	sadd.s32 $0x1500, s1;
	[dreg:$0x17] =	wrdreg s18  }
0x19: {  	s20 =	sadd.s32 $0x1600, s1;
	[dreg:$0x18] =	wrdreg s19  }
0x1a: {  	s21 =	sadd.s32 $0x1700, s1;
	[dreg:$0x19] =	wrdreg s20  }
0x1b: {  	[dreg:$0x1a] =	wrdreg s21;
	s22 =	sadd.s32 $0x1800, s1  }
0x1c: {  	s23 =	sadd.s32 $0x1900, s1;
	[dreg:$0x1b] =	wrdreg s22  }
0x1d: {  	s24 =	sadd.s32 $0x1A00, s1;
	[dreg:$0x1c] =	wrdreg s23  }
0x1e: {  	s25 =	sadd.s32 $0x1B00, s1;
	[dreg:$0x1d] =	wrdreg s24  }
0x1f: {  	s26 =	sadd.s32 $0x1C00, s1;
	[dreg:$0x1e] =	wrdreg s25  }
0x20: {  	s28 =	simm.s32 $0xEA00;
	s9 =	sadd.s32 $0x1E00, s1;
	[dreg:$0x1f] =	wrdreg s26  }
0x21: {  	s29 =	simm.s32 $0xF200;
	s11 =	sadd.s32 $0x1F00, s1;
	[smem:$0x7EF] =	sst s9  }
0x22: {  	s30 =	simm.s32 $0xFA00;
	s13 =	simm.s32 $0xA00;
	[smem:$0x7F0] =	sst s11  }
0x23: {  	s31 =	simm.s32 $0x1;
	s14 =	simm.s32 $0x1200;
	[smem:$0x7F1] =	sst s13  }
0x24: {  	s5 =	srdreg.scid;
	s16 =	simm.s32 $0x1A00;
	[smem:$0x7F3] =	sst s14  }
0x25: {  	s8 =	stileid.u32;
	s18 =	simm.s32 $0x2200;
	[smem:$0x7F5] =	sst s16  }
0x26: {  	s20 =	simm.s32 $0x2A00;
	s21 =	simm.s32 $0x3200;
	[smem:$0x7F6] =	sst s18  }
0x27: {  	s5 =	sand.u32 $0x1, s5;
	s6 =	sshll.u32 s8, $0xA;
	[smem:$0x7F7] =	sst s20  }
0x28: {  	s19 =	sshll.u32 s8, $0x14;
	[smem:$0x7F8] =	sst s21;
	s23 =	simm.s32 $0x3A00  }
0x29: {  	s24 =	simm.s32 $0x4200;
	s25 =	simm.s32 $0x4A00;
	s8 =	simm.s32 $0x200  }
0x2a: {  	s26 =	simm.s32 $0x5200;
	s18 =	simm.s32 $0xA200;
	[smem:$0x7FA] =	sst s23  }
0x2b: {  	s20 =	simm.s32 $0xB200;
	s21 =	simm.s32 $0xBA00;
	[smem:$0x7FB] =	sst s24  }
0x2c: {  	s7 =	sshll.u32 s5, $0x9;
	s10 =	ssub.s32 $0x2, s5;
	[smem:$0x7FC] =	sst s25  }
0x2d: {  	s0 =	sadd.s32 s19, s0;
	s22 =	sshll.u32 s5, $0x13;
	[smem:$0x7FD] =	sst s26  }
0x2e: {  	s19 =	simm.s32 $0xAA00;
	s23 =	simm.s32 $0xCA00;
	s24 =	simm.s32 $0xD200  }
0x2f: {  	s25 =	simm.s32 $0xDA00;
	s26 =	simm.s32 $0xE200;
	s6 =	sor.u32 s7, s6  }
0x30: {  	s7 =	sadd.s32 $0x1D00, s1;
	s12 =	sshrl.u32 s10, $0x1;
	s6 =	sshrl.u32 s6, $0x3  }
0x31: {  	s0 =	sadd.s32 s22, s0;
	[smem:$0x7EE] =	sst s7;
	s3 =	sadd.s32 s6, s3  }
0x32: {  	v0 =	vlaneseq.u32;
	[smem:$0x7F9] =	sst s0;
	s6 =	ssub.s32 s10, s12;
	s15 =	sadd.s32 $0x801400, s3  }
0x33: {  	v1 =	vshrl.u32 v0, $0x3;
	s22 =	simm.s32 $0xC200;
	s17 =	smax.u32 s6, $0x1;
	[smem:$0x7F2] =	sst s15  }
0x34: {  	vm0 =	vmmov $0xffff;
	v0 =	vand.u32 $0x7, v0;
	v1 =	vmul.u32 $0x8, v1;
	s1 =	simm.s32 $0x0;
	s7 =	simm.s32 $0x2;
	[smem:$0x7F4] =	sst s17  }
.LBB2_1:
0x35: {  	s0 =	sld [smem:$0x7F2];
	_ =	sdelay $0x1  }
0x36: {  	[smem:$0x7ED] =	sst s1  }
0x37: {  	[tilespmem:s2], [sflag:$0x2] =	stream.linear.gather [hbm4b:s0+s2], $0x200, $0x38;
	[tilespmem:$0x10200] =	vst v63  }
0x38: {  	_ =	swait.ge [sflag:s7], $0x200  }
0x39: {  	[sflag:s7] =	ssyncset.done $0x0  }
0x3a: {  	s3 =	simm.s32 $0x0;
	[sflag:s7] =	ssyncadd.s32 $0xFFFFFE00  }
0x3b: {  	v2 =	vld.msk [tilespmem:s3+$0x0], $0xff;
	_ =	sdelay $0x2  }
0x3c: {  	s16 =	sld [smem:$0x7F3]  }
0x3d: {  	s4 =	sld [smem:$0x7F1]  }
0x3e: {  	s5 =	rddreg [dreg:$0x4];
	v3 =	vshll.u32 v2, $0x6  }
0x3f: {  	s6 =	rddreg [dreg:$0x5];
	v2 =	vand.u32 $0x7, v2;
	v3 =	vand.u32 $0xFFFFFE00, v3  }
0x40: {  	s0 =	sld [smem:$0x7F5];
	v2 =	vor.u32 v2, v3  }
0x41: {  	s1 =	rddreg [dreg:$0x6];
	v2 =	vperm.xlane v2, v0  }
0x42: {  	s9 =	rddreg [dreg:$0x7]  }
0x43: {  	s10 =	sld [smem:$0x7F7];
	v2 =	vadd.s32 v1, v2  }
0x44: {  	s11 =	rddreg [dreg:$0x8]  }
0x45: {  	s12 =	sld [smem:$0x7F8]  }
0x46: {  	s13 =	rddreg [dreg:$0x9]  }
0x47: {  	s17 =	rddreg [dreg:$0x0]  }
0x48: {  	[tilespmem:s8], [sflag:$0x1] =	stream.indirect_vreg.gather [hbm4b:s17+s2], $0x80, v2, vm0, $0xb8;
	[tilespmem:$0x10200] =	vst v63  }
0x49: {  	s14 =	sld [smem:$0x7FA]  }
0x4a: {  	[tilespmem:s4], [sflag:$0x1] =	stream.indirect_vreg.gather [hbm4b:s5+s2], $0x80, v2, vm0, $0xb8;
	[tilespmem:$0x10200] =	vst v63  }
0x4b: {  	s15 =	rddreg [dreg:$0xa]  }
0x4c: {  	[tilespmem:s16], [sflag:$0x1] =	stream.indirect_vreg.gather [hbm4b:s6+s2], $0x80, v2, vm0, $0xb8;
	[tilespmem:$0x10200] =	vst v63  }
0x4d: {  	s6 =	sld [smem:$0x7F6]  }
0x4e: {  	[tilespmem:s0], [sflag:$0x1] =	stream.indirect_vreg.gather [hbm4b:s1+s2], $0x80, v2, vm0, $0xb8;
	[tilespmem:$0x10200] =	vst v63  }
0x4f: {  	s17 =	rddreg [dreg:$0xb]  }
0x50: {  	[tilespmem:s6], [sflag:$0x1] =	stream.indirect_vreg.gather [hbm4b:s9+s2], $0x80, v2, vm0, $0xb8;
	[tilespmem:$0x10200] =	vst v63  }
0x51: {  	s16 =	sld [smem:$0x7FB]  }
0x52: {  	[tilespmem:s10], [sflag:$0x1] =	stream.indirect_vreg.gather [hbm4b:s11+s2], $0x80, v2, vm0, $0xb8;
	[tilespmem:$0x10200] =	vst v63  }
0x53: {  	s0 =	sld [smem:$0x7FC]  }
0x54: {  	[tilespmem:s12], [sflag:$0x1] =	stream.indirect_vreg.gather [hbm4b:s13+s2], $0x80, v2, vm0, $0xb8;
	[tilespmem:$0x10200] =	vst v63  }
0x55: {  	s1 =	rddreg [dreg:$0xc]  }
0x56: {  	[tilespmem:s14], [sflag:$0x1] =	stream.indirect_vreg.gather [hbm4b:s15+s2], $0x80, v2, vm0, $0xb8;
	[tilespmem:$0x10200] =	vst v63  }
0x57: {  	s9 =	sld [smem:$0x7FD]  }
0x58: {  	[tilespmem:s16], [sflag:$0x1] =	stream.indirect_vreg.gather [hbm4b:s17+s2], $0x80, v2, vm0, $0xb8;
	[tilespmem:$0x10200] =	vst v63  }
0x59: {  	s6 =	rddreg [dreg:$0x13]  }
0x5a: {  	[tilespmem:s0], [sflag:$0x1] =	stream.indirect_vreg.gather [hbm4b:s1+s2], $0x80, v2, vm0, $0xb8;
	[tilespmem:$0x10200] =	vst v63  }
0x5b: {  	s10 =	rddreg [dreg:$0xd]  }
0x5c: {  	[tilespmem:s9], [sflag:$0x1] =	stream.indirect_vreg.gather [hbm4b:s10+s2], $0x80, v2, vm0, $0xb8;
	[tilespmem:$0x10200] =	vst v63  }
0x5d: {  	s11 =	rddreg [dreg:$0xe];
	s13 =	simm.s32 $0x5A00  }
0x5e: {  	[tilespmem:s13], [sflag:$0x1] =	stream.indirect_vreg.gather [hbm4b:s11+s2], $0x80, v2, vm0, $0xb8;
	[tilespmem:$0x10200] =	vst v63  }
0x5f: {  	s12 =	rddreg [dreg:$0xf];
	s15 =	simm.s32 $0x6200  }
0x60: {  	[tilespmem:s15], [sflag:$0x1] =	stream.indirect_vreg.gather [hbm4b:s12+s2], $0x80, v2, vm0, $0xb8;
	[tilespmem:$0x10200] =	vst v63  }
0x61: {  	s14 =	rddreg [dreg:$0x10];
	s17 =	simm.s32 $0x6A00  }
0x62: {  	[tilespmem:s17], [sflag:$0x1] =	stream.indirect_vreg.gather [hbm4b:s14+s2], $0x80, v2, vm0, $0xb8;
	[tilespmem:$0x10200] =	vst v63  }
0x63: {  	s5 =	simm.s32 $0x7200;
	s16 =	rddreg [dreg:$0x11]  }
0x64: {  	[tilespmem:s5], [sflag:$0x1] =	stream.indirect_vreg.gather [hbm4b:s16+s2], $0x80, v2, vm0, $0xb8;
	[tilespmem:$0x10200] =	vst v63  }
0x65: {  	s1 =	rddreg [dreg:$0x12];
	s9 =	simm.s32 $0x7A00  }
0x66: {  	[tilespmem:s9], [sflag:$0x1] =	stream.indirect_vreg.gather [hbm4b:s1+s2], $0x80, v2, vm0, $0xb8;
	[tilespmem:$0x10200] =	vst v63  }
0x67: {  	s10 =	rddreg [dreg:$0x14];
	s11 =	simm.s32 $0x8200  }
0x68: {  	[tilespmem:s11], [sflag:$0x1] =	stream.indirect_vreg.gather [hbm4b:s6+s2], $0x80, v2, vm0, $0xb8;
	[tilespmem:$0x10200] =	vst v63  }
0x69: {  	s13 =	simm.s32 $0x8A00;
	s12 =	rddreg [dreg:$0x15]  }
0x6a: {  	[tilespmem:s13], [sflag:$0x1] =	stream.indirect_vreg.gather [hbm4b:s10+s2], $0x80, v2, vm0, $0xb8;
	[tilespmem:$0x10200] =	vst v63  }
0x6b: {  	s15 =	simm.s32 $0x9200;
	s14 =	rddreg [dreg:$0x16]  }
0x6c: {  	[tilespmem:s15], [sflag:$0x1] =	stream.indirect_vreg.gather [hbm4b:s12+s2], $0x80, v2, vm0, $0xb8;
	[tilespmem:$0x10200] =	vst v63  }
0x6d: {  	s17 =	simm.s32 $0x9A00;
	s16 =	rddreg [dreg:$0x17]  }
0x6e: {  	[tilespmem:s17], [sflag:$0x1] =	stream.indirect_vreg.gather [hbm4b:s14+s2], $0x80, v2, vm0, $0xb8;
	[tilespmem:$0x10200] =	vst v63  }
0x6f: {  	s5 =	rddreg [dreg:$0x19]  }
0x70: {  	[tilespmem:s18], [sflag:$0x1] =	stream.indirect_vreg.gather [hbm4b:s16+s2], $0x80, v2, vm0, $0xb8;
	[tilespmem:$0x10200] =	vst v63  }
0x71: {  	s1 =	rddreg [dreg:$0x18]  }
0x72: {  	[tilespmem:s19], [sflag:$0x1] =	stream.indirect_vreg.gather [hbm4b:s1+s2], $0x80, v2, vm0, $0xb8;
	[tilespmem:$0x10200] =	vst v63  }
0x73: {  	s9 =	rddreg [dreg:$0x1b]  }
0x74: {  	[tilespmem:s20], [sflag:$0x1] =	stream.indirect_vreg.gather [hbm4b:s5+s2], $0x80, v2, vm0, $0xb8;
	[tilespmem:$0x10200] =	vst v63  }
0x75: {  	s6 =	rddreg [dreg:$0x1a]  }
0x76: {  	[tilespmem:s21], [sflag:$0x1] =	stream.indirect_vreg.gather [hbm4b:s6+s2], $0x80, v2, vm0, $0xb8;
	[tilespmem:$0x10200] =	vst v63  }
0x77: {  	s11 =	rddreg [dreg:$0x1d]  }
0x78: {  	[tilespmem:s22], [sflag:$0x1] =	stream.indirect_vreg.gather [hbm4b:s9+s2], $0x80, v2, vm0, $0xb8;
	[tilespmem:$0x10200] =	vst v63  }
0x79: {  	s10 =	rddreg [dreg:$0x1c]  }
0x7a: {  	[tilespmem:s23], [sflag:$0x1] =	stream.indirect_vreg.gather [hbm4b:s10+s2], $0x80, v2, vm0, $0xb8;
	[tilespmem:$0x10200] =	vst v63  }
0x7b: {  	s13 =	rddreg [dreg:$0x1f]  }
0x7c: {  	[tilespmem:s24], [sflag:$0x1] =	stream.indirect_vreg.gather [hbm4b:s11+s2], $0x80, v2, vm0, $0xb8;
	[tilespmem:$0x10200] =	vst v63  }
0x7d: {  	s12 =	rddreg [dreg:$0x1e]  }
0x7e: {  	[tilespmem:s25], [sflag:$0x1] =	stream.indirect_vreg.gather [hbm4b:s12+s2], $0x80, v2, vm0, $0xb8;
	[tilespmem:$0x10200] =	vst v63  }
0x7f: {  	s14 =	sld [smem:$0x7EE]  }
0x80: {  	[tilespmem:s26], [sflag:$0x1] =	stream.indirect_vreg.gather [hbm4b:s13+s2], $0x80, v2, vm0, $0xb8;
	[tilespmem:$0x10200] =	vst v63  }
0x81: {  	s15 =	sld [smem:$0x7EF]  }
0x82: {  	[tilespmem:s28], [sflag:$0x1] =	stream.indirect_vreg.gather [hbm4b:s14+s2], $0x80, v2, vm0, $0xb8;
	[tilespmem:$0x10200] =	vst v63  }
0x83: {  	s16 =	sld [smem:$0x7F0]  }
0x84: {  	[tilespmem:s29], [sflag:$0x1] =	stream.indirect_vreg.gather [hbm4b:s15+s2], $0x80, v2, vm0, $0xb8;
	[tilespmem:$0x10200] =	vst v63  }
0x85: {  	_ = 	snop  }
0x86: {  	[tilespmem:s30], [sflag:$0x1] =	stream.indirect_vreg.gather [hbm4b:s16+s2], $0x80, v2, vm0, $0xb8;
	[tilespmem:$0x10200] =	vst v63  }
0x87: {  	_ =	swait.ge [sflag:s31], $0x10000  }
0x88: {  	s17 =	sld [smem:$0x7F9]  }
0x89: {  	[sflag:s31] =	ssyncset.done $0x0  }
0x8a: {  	[sflag:s31] =	ssyncadd.s32 $0xFFFF0000  }
0x8b: {  	[hbm4b:s17+s2] =	stream.linear.scatter [tilespmem:s8], [sflag:$0x2], $0x10000, $0x38;
	[tilespmem:$0x10200] =	vst v63  }
0x8c: {  	s4 =	simm.s32 $0x20;
	_ =	swait.ge [sflag:s7], $0x10000  }
0x8d: {  	s6 =	simm.s32 $0x40;
	s3 =	sadd.s32 $0x2000, s17;
	[sflag:s7] =	ssyncset.done $0x0  }
.LBB2_2:
0x8e: {  	s0 =	sshra.s32 s4, $0x2;
	[sflag:s7] =	ssyncadd.s32 $0xFFFF0000  }
0x8f: {  	v2 =	vld.msk [tilespmem:s0+$0x0], $0xff;
	_ =	sdelay $0x1  }
0x90: {  	s4 =	smov.u32 s6  }
0x91: {  	s5 =	sadd.s32 $0x20, s6;
	p0 =	sne.s32 s6, $0x7E0;
	s6 =	sld [smem:$0x7FD]  }
0x92: {  	s1 =	sld [smem:$0x7FB]  }
0x93: {  	s9 =	sld [smem:$0x7FA];
	v3 =	vshll.u32 v2, $0x6  }
0x94: {  	s10 =	sld [smem:$0x7F8];
	v2 =	vand.u32 $0x7, v2;
	v3 =	vand.u32 $0xFFFFFE00, v3  }
0x95: {  	s11 =	sld [smem:$0x7F7];
	v2 =	vor.u32 v2, v3  }
0x96: {  	s12 =	sld [smem:$0x7F6];
	v2 =	vperm.xlane v2, v0  }
0x97: {  	s13 =	sld [smem:$0x7F5]  }
0x98: {  	s14 =	sld [smem:$0x7F3];
	v2 =	vadd.s32 v1, v2  }
0x99: {  	s15 =	sld [smem:$0x7F1]  }
0x9a: {  	s16 =	rddreg [dreg:$0x4]  }
0x9b: {  	s0 =	sld [smem:$0x7FC]  }
0x9c: {  	s17 =	rddreg [dreg:$0x0]  }
0x9d: {  	[tilespmem:s8], [sflag:$0x1] =	stream.indirect_vreg.gather [hbm4b:s17+s2], $0x80, v2, vm0, $0xb8;
	[tilespmem:$0x10200] =	vst v63  }
0x9e: {  	s17 =	rddreg [dreg:$0x5]  }
0x9f: {  	[tilespmem:s15], [sflag:$0x1] =	stream.indirect_vreg.gather [hbm4b:s16+s2], $0x80, v2, vm0, $0xb8;
	[tilespmem:$0x10200] =	vst v63  }
0xa0: {  	s16 =	rddreg [dreg:$0x6]  }
0xa1: {  	[tilespmem:s14], [sflag:$0x1] =	stream.indirect_vreg.gather [hbm4b:s17+s2], $0x80, v2, vm0, $0xb8;
	[tilespmem:$0x10200] =	vst v63  }
0xa2: {  	s15 =	rddreg [dreg:$0x8]  }
0xa3: {  	[tilespmem:s13], [sflag:$0x1] =	stream.indirect_vreg.gather [hbm4b:s16+s2], $0x80, v2, vm0, $0xb8;
	[tilespmem:$0x10200] =	vst v63  }
0xa4: {  	s17 =	rddreg [dreg:$0x7]  }
0xa5: {  	[tilespmem:s12], [sflag:$0x1] =	stream.indirect_vreg.gather [hbm4b:s17+s2], $0x80, v2, vm0, $0xb8;
	[tilespmem:$0x10200] =	vst v63  }
0xa6: {  	s14 =	rddreg [dreg:$0xc]  }
0xa7: {  	[tilespmem:s11], [sflag:$0x1] =	stream.indirect_vreg.gather [hbm4b:s15+s2], $0x80, v2, vm0, $0xb8;
	[tilespmem:$0x10200] =	vst v63  }
0xa8: {  	s16 =	rddreg [dreg:$0x9]  }
0xa9: {  	[tilespmem:s10], [sflag:$0x1] =	stream.indirect_vreg.gather [hbm4b:s16+s2], $0x80, v2, vm0, $0xb8;
	[tilespmem:$0x10200] =	vst v63  }
0xaa: {  	s17 =	rddreg [dreg:$0xa]  }
0xab: {  	[tilespmem:s9], [sflag:$0x1] =	stream.indirect_vreg.gather [hbm4b:s17+s2], $0x80, v2, vm0, $0xb8;
	[tilespmem:$0x10200] =	vst v63  }
0xac: {  	s13 =	rddreg [dreg:$0xb]  }
0xad: {  	[tilespmem:s1], [sflag:$0x1] =	stream.indirect_vreg.gather [hbm4b:s13+s2], $0x80, v2, vm0, $0xb8;
	[tilespmem:$0x10200] =	vst v63  }
0xae: {  	s12 =	rddreg [dreg:$0x11]  }
0xaf: {  	[tilespmem:s0], [sflag:$0x1] =	stream.indirect_vreg.gather [hbm4b:s14+s2], $0x80, v2, vm0, $0xb8;
	[tilespmem:$0x10200] =	vst v63  }
0xb0: {  	s15 =	rddreg [dreg:$0xd]  }
0xb1: {  	[tilespmem:s6], [sflag:$0x1] =	stream.indirect_vreg.gather [hbm4b:s15+s2], $0x80, v2, vm0, $0xb8;
	[tilespmem:$0x10200] =	vst v63  }
0xb2: {  	s16 =	rddreg [dreg:$0xe];
	s9 =	simm.s32 $0x5A00  }
0xb3: {  	[tilespmem:s9], [sflag:$0x1] =	stream.indirect_vreg.gather [hbm4b:s16+s2], $0x80, v2, vm0, $0xb8;
	[tilespmem:$0x10200] =	vst v63  }
0xb4: {  	s11 =	simm.s32 $0x6200;
	s17 =	rddreg [dreg:$0xf]  }
0xb5: {  	[tilespmem:s11], [sflag:$0x1] =	stream.indirect_vreg.gather [hbm4b:s17+s2], $0x80, v2, vm0, $0xb8;
	[tilespmem:$0x10200] =	vst v63  }
0xb6: {  	s10 =	rddreg [dreg:$0x10];
	s13 =	simm.s32 $0x6A00  }
0xb7: {  	[tilespmem:s13], [sflag:$0x1] =	stream.indirect_vreg.gather [hbm4b:s10+s2], $0x80, v2, vm0, $0xb8;
	[tilespmem:$0x10200] =	vst v63  }
0xb8: {  	s14 =	rddreg [dreg:$0x12];
	s15 =	simm.s32 $0x7200  }
0xb9: {  	[tilespmem:s15], [sflag:$0x1] =	stream.indirect_vreg.gather [hbm4b:s12+s2], $0x80, v2, vm0, $0xb8;
	[tilespmem:$0x10200] =	vst v63  }
0xba: {  	s6 =	rddreg [dreg:$0x19];
	s17 =	simm.s32 $0x7A00  }
0xbb: {  	[tilespmem:s17], [sflag:$0x1] =	stream.indirect_vreg.gather [hbm4b:s14+s2], $0x80, v2, vm0, $0xb8;
	[tilespmem:$0x10200] =	vst v63  }
0xbc: {  	s16 =	rddreg [dreg:$0x13];
	s10 =	simm.s32 $0x8200  }
0xbd: {  	[tilespmem:s10], [sflag:$0x1] =	stream.indirect_vreg.gather [hbm4b:s16+s2], $0x80, v2, vm0, $0xb8;
	[tilespmem:$0x10200] =	vst v63  }
0xbe: {  	s9 =	rddreg [dreg:$0x14];
	s12 =	simm.s32 $0x8A00  }
0xbf: {  	[tilespmem:s12], [sflag:$0x1] =	stream.indirect_vreg.gather [hbm4b:s9+s2], $0x80, v2, vm0, $0xb8;
	[tilespmem:$0x10200] =	vst v63  }
0xc0: {  	s11 =	rddreg [dreg:$0x15];
	s14 =	simm.s32 $0x9200  }
0xc1: {  	[tilespmem:s14], [sflag:$0x1] =	stream.indirect_vreg.gather [hbm4b:s11+s2], $0x80, v2, vm0, $0xb8;
	[tilespmem:$0x10200] =	vst v63  }
0xc2: {  	s13 =	rddreg [dreg:$0x16];
	s16 =	simm.s32 $0x9A00  }
0xc3: {  	[tilespmem:s16], [sflag:$0x1] =	stream.indirect_vreg.gather [hbm4b:s13+s2], $0x80, v2, vm0, $0xb8;
	[tilespmem:$0x10200] =	vst v63  }
0xc4: {  	s15 =	rddreg [dreg:$0x17]  }
0xc5: {  	[tilespmem:s18], [sflag:$0x1] =	stream.indirect_vreg.gather [hbm4b:s15+s2], $0x80, v2, vm0, $0xb8;
	[tilespmem:$0x10200] =	vst v63  }
0xc6: {  	s17 =	rddreg [dreg:$0x18]  }
0xc7: {  	[tilespmem:s19], [sflag:$0x1] =	stream.indirect_vreg.gather [hbm4b:s17+s2], $0x80, v2, vm0, $0xb8;
	[tilespmem:$0x10200] =	vst v63  }
0xc8: {  	s10 =	rddreg [dreg:$0x1b]  }
0xc9: {  	[tilespmem:s20], [sflag:$0x1] =	stream.indirect_vreg.gather [hbm4b:s6+s2], $0x80, v2, vm0, $0xb8;
	[tilespmem:$0x10200] =	vst v63  }
0xca: {  	s9 =	rddreg [dreg:$0x1a]  }
0xcb: {  	[tilespmem:s21], [sflag:$0x1] =	stream.indirect_vreg.gather [hbm4b:s9+s2], $0x80, v2, vm0, $0xb8;
	[tilespmem:$0x10200] =	vst v63  }
0xcc: {  	s12 =	rddreg [dreg:$0x1d]  }
0xcd: {  	[tilespmem:s22], [sflag:$0x1] =	stream.indirect_vreg.gather [hbm4b:s10+s2], $0x80, v2, vm0, $0xb8;
	[tilespmem:$0x10200] =	vst v63  }
0xce: {  	s11 =	rddreg [dreg:$0x1c]  }
0xcf: {  	[tilespmem:s23], [sflag:$0x1] =	stream.indirect_vreg.gather [hbm4b:s11+s2], $0x80, v2, vm0, $0xb8;
	[tilespmem:$0x10200] =	vst v63  }
0xd0: {  	s14 =	rddreg [dreg:$0x1f]  }
0xd1: {  	[tilespmem:s24], [sflag:$0x1] =	stream.indirect_vreg.gather [hbm4b:s12+s2], $0x80, v2, vm0, $0xb8;
	[tilespmem:$0x10200] =	vst v63  }
0xd2: {  	s13 =	rddreg [dreg:$0x1e]  }
0xd3: {  	[tilespmem:s25], [sflag:$0x1] =	stream.indirect_vreg.gather [hbm4b:s13+s2], $0x80, v2, vm0, $0xb8;
	[tilespmem:$0x10200] =	vst v63  }
0xd4: {  	s15 =	sld [smem:$0x7EE]  }
0xd5: {  	[tilespmem:s26], [sflag:$0x1] =	stream.indirect_vreg.gather [hbm4b:s14+s2], $0x80, v2, vm0, $0xb8;
	[tilespmem:$0x10200] =	vst v63  }
0xd6: {  	s16 =	sld [smem:$0x7EF]  }
0xd7: {  	[tilespmem:s28], [sflag:$0x1] =	stream.indirect_vreg.gather [hbm4b:s15+s2], $0x80, v2, vm0, $0xb8;
	[tilespmem:$0x10200] =	vst v63  }
0xd8: {  	s17 =	sld [smem:$0x7F0]  }
0xd9: {  	[tilespmem:s29], [sflag:$0x1] =	stream.indirect_vreg.gather [hbm4b:s16+s2], $0x80, v2, vm0, $0xb8;
	[tilespmem:$0x10200] =	vst v63  }
0xda: {  	_ = 	snop  }
0xdb: {  	[tilespmem:s30], [sflag:$0x1] =	stream.indirect_vreg.gather [hbm4b:s17+s2], $0x80, v2, vm0, $0xb8;
	[tilespmem:$0x10200] =	vst v63  }
0xdc: {  	_ =	swait.ge [sflag:s31], $0x10000  }
.Ltmp0:
0xdd: {  	[sflag:s31] =	ssyncset.done $0x0;
	(pc) =	sbr.rel @p0 .LBB2_2-.Ltmp0, $4  }
0xde: {  	[sflag:s31] =	ssyncadd.s32 $0xFFFF0000  }
0xdf: {  	[hbm4b:s3+s2] =	stream.linear.scatter [tilespmem:s8], [sflag:$0x2], $0x10000, $0x38;
	[tilespmem:$0x10200] =	vst v63  }
0xe0: {  	_ =	swait.ge [sflag:s7], $0x10000  }
0xe1: {  	s6 =	smov.u32 s5;
	s3 =	sadd.s32 $0x2000, s3;
	[sflag:s7] =	ssyncset.done $0x0  }
0xe2: {  	s0 =	sshra.s32 s4, $0x2;
	[sflag:s7] =	ssyncadd.s32 $0xFFFF0000  }
0xe3: {  	v2 =	vld.msk [tilespmem:s0+$0x0], $0xff;
	_ =	sdelay $0x2  }
0xe4: {  	s11 =	sld [smem:$0x7F3]  }
0xe5: {  	s1 =	sld [smem:$0x7F1]  }
0xe6: {  	s12 =	rddreg [dreg:$0x4];
	v3 =	vshll.u32 v2, $0x6  }
0xe7: {  	s13 =	rddreg [dreg:$0x5];
	v2 =	vand.u32 $0x7, v2;
	v3 =	vand.u32 $0xFFFFFE00, v3  }
0xe8: {  	s14 =	sld [smem:$0x7F5];
	v2 =	vor.u32 v2, v3  }
0xe9: {  	s15 =	rddreg [dreg:$0x6];
	v2 =	vperm.xlane v2, v0  }
0xea: {  	s16 =	sld [smem:$0x7F6]  }
0xeb: {  	s17 =	rddreg [dreg:$0x7];
	v2 =	vadd.s32 v1, v2  }
0xec: {  	s6 =	sld [smem:$0x7F7]  }
0xed: {  	s9 =	rddreg [dreg:$0x8]  }
0xee: {  	s10 =	sld [smem:$0x7F8]  }
0xef: {  	s5 =	rddreg [dreg:$0x0]  }
0xf0: {  	[tilespmem:s8], [sflag:$0x1] =	stream.indirect_vreg.gather [hbm4b:s5+s2], $0x80, v2, vm0, $0xb8;
	[tilespmem:$0x10200] =	vst v63  }
0xf1: {  	s4 =	rddreg [dreg:$0x19]  }
0xf2: {  	[tilespmem:s1], [sflag:$0x1] =	stream.indirect_vreg.gather [hbm4b:s12+s2], $0x80, v2, vm0, $0xb8;
	[tilespmem:$0x10200] =	vst v63  }
0xf3: {  	s5 =	sld [smem:$0x7FD]  }
0xf4: {  	[tilespmem:s11], [sflag:$0x1] =	stream.indirect_vreg.gather [hbm4b:s13+s2], $0x80, v2, vm0, $0xb8;
	[tilespmem:$0x10200] =	vst v63  }
0xf5: {  	s12 =	sld [smem:$0x7FA]  }
0xf6: {  	[tilespmem:s14], [sflag:$0x1] =	stream.indirect_vreg.gather [hbm4b:s15+s2], $0x80, v2, vm0, $0xb8;
	[tilespmem:$0x10200] =	vst v63  }
0xf7: {  	s11 =	rddreg [dreg:$0x9]  }
0xf8: {  	[tilespmem:s16], [sflag:$0x1] =	stream.indirect_vreg.gather [hbm4b:s17+s2], $0x80, v2, vm0, $0xb8;
	[tilespmem:$0x10200] =	vst v63  }
0xf9: {  	s13 =	rddreg [dreg:$0xa]  }
0xfa: {  	[tilespmem:s6], [sflag:$0x1] =	stream.indirect_vreg.gather [hbm4b:s9+s2], $0x80, v2, vm0, $0xb8;
	[tilespmem:$0x10200] =	vst v63  }
0xfb: {  	s14 =	sld [smem:$0x7FB]  }
0xfc: {  	[tilespmem:s10], [sflag:$0x1] =	stream.indirect_vreg.gather [hbm4b:s11+s2], $0x80, v2, vm0, $0xb8;
	[tilespmem:$0x10200] =	vst v63  }
0xfd: {  	s15 =	rddreg [dreg:$0xb]  }
0xfe: {  	[tilespmem:s12], [sflag:$0x1] =	stream.indirect_vreg.gather [hbm4b:s13+s2], $0x80, v2, vm0, $0xb8;
	[tilespmem:$0x10200] =	vst v63  }
0xff: {  	s16 =	sld [smem:$0x7FC]  }
0x100: {  	[tilespmem:s14], [sflag:$0x1] =	stream.indirect_vreg.gather [hbm4b:s15+s2], $0x80, v2, vm0, $0xb8;
	[tilespmem:$0x10200] =	vst v63  }
0x101: {  	s17 =	rddreg [dreg:$0xc]  }
0x102: {  	[tilespmem:s16], [sflag:$0x1] =	stream.indirect_vreg.gather [hbm4b:s17+s2], $0x80, v2, vm0, $0xb8;
	[tilespmem:$0x10200] =	vst v63  }
0x103: {  	s6 =	rddreg [dreg:$0xd]  }
0x104: {  	[tilespmem:s5], [sflag:$0x1] =	stream.indirect_vreg.gather [hbm4b:s6+s2], $0x80, v2, vm0, $0xb8;
	[tilespmem:$0x10200] =	vst v63  }
0x105: {  	s9 =	rddreg [dreg:$0xe];
	s11 =	simm.s32 $0x5A00  }
0x106: {  	[tilespmem:s11], [sflag:$0x1] =	stream.indirect_vreg.gather [hbm4b:s9+s2], $0x80, v2, vm0, $0xb8;
	[tilespmem:$0x10200] =	vst v63  }
0x107: {  	s10 =	rddreg [dreg:$0xf];
	s13 =	simm.s32 $0x6200  }
0x108: {  	[tilespmem:s13], [sflag:$0x1] =	stream.indirect_vreg.gather [hbm4b:s10+s2], $0x80, v2, vm0, $0xb8;
	[tilespmem:$0x10200] =	vst v63  }
0x109: {  	s12 =	rddreg [dreg:$0x10];
	s15 =	simm.s32 $0x6A00  }
0x10a: {  	[tilespmem:s15], [sflag:$0x1] =	stream.indirect_vreg.gather [hbm4b:s12+s2], $0x80, v2, vm0, $0xb8;
	[tilespmem:$0x10200] =	vst v63  }
0x10b: {  	s14 =	rddreg [dreg:$0x11];
	s17 =	simm.s32 $0x7200  }
0x10c: {  	[tilespmem:s17], [sflag:$0x1] =	stream.indirect_vreg.gather [hbm4b:s14+s2], $0x80, v2, vm0, $0xb8;
	[tilespmem:$0x10200] =	vst v63  }
0x10d: {  	s16 =	rddreg [dreg:$0x12];
	s6 =	simm.s32 $0x7A00  }
0x10e: {  	[tilespmem:s6], [sflag:$0x1] =	stream.indirect_vreg.gather [hbm4b:s16+s2], $0x80, v2, vm0, $0xb8;
	[tilespmem:$0x10200] =	vst v63  }
0x10f: {  	s5 =	rddreg [dreg:$0x13];
	s10 =	simm.s32 $0x8200  }
0x110: {  	[tilespmem:s10], [sflag:$0x1] =	stream.indirect_vreg.gather [hbm4b:s5+s2], $0x80, v2, vm0, $0xb8;
	[tilespmem:$0x10200] =	vst v63  }
0x111: {  	s9 =	rddreg [dreg:$0x14];
	s12 =	simm.s32 $0x8A00  }
0x112: {  	[tilespmem:s12], [sflag:$0x1] =	stream.indirect_vreg.gather [hbm4b:s9+s2], $0x80, v2, vm0, $0xb8;
	[tilespmem:$0x10200] =	vst v63  }
0x113: {  	s11 =	rddreg [dreg:$0x15];
	s14 =	simm.s32 $0x9200  }
0x114: {  	[tilespmem:s14], [sflag:$0x1] =	stream.indirect_vreg.gather [hbm4b:s11+s2], $0x80, v2, vm0, $0xb8;
	[tilespmem:$0x10200] =	vst v63  }
0x115: {  	s13 =	rddreg [dreg:$0x16];
	s16 =	simm.s32 $0x9A00  }
0x116: {  	[tilespmem:s16], [sflag:$0x1] =	stream.indirect_vreg.gather [hbm4b:s13+s2], $0x80, v2, vm0, $0xb8;
	[tilespmem:$0x10200] =	vst v63  }
0x117: {  	s15 =	rddreg [dreg:$0x17]  }
0x118: {  	[tilespmem:s18], [sflag:$0x1] =	stream.indirect_vreg.gather [hbm4b:s15+s2], $0x80, v2, vm0, $0xb8;
	[tilespmem:$0x10200] =	vst v63  }
0x119: {  	s17 =	rddreg [dreg:$0x18]  }
0x11a: {  	[tilespmem:s19], [sflag:$0x1] =	stream.indirect_vreg.gather [hbm4b:s17+s2], $0x80, v2, vm0, $0xb8;
	[tilespmem:$0x10200] =	vst v63  }
0x11b: {  	s6 =	rddreg [dreg:$0x1b]  }
0x11c: {  	[tilespmem:s20], [sflag:$0x1] =	stream.indirect_vreg.gather [hbm4b:s4+s2], $0x80, v2, vm0, $0xb8;
	[tilespmem:$0x10200] =	vst v63  }
0x11d: {  	s5 =	rddreg [dreg:$0x1a]  }
0x11e: {  	[tilespmem:s21], [sflag:$0x1] =	stream.indirect_vreg.gather [hbm4b:s5+s2], $0x80, v2, vm0, $0xb8;
	[tilespmem:$0x10200] =	vst v63  }
0x11f: {  	s10 =	rddreg [dreg:$0x1d]  }
0x120: {  	[tilespmem:s22], [sflag:$0x1] =	stream.indirect_vreg.gather [hbm4b:s6+s2], $0x80, v2, vm0, $0xb8;
	[tilespmem:$0x10200] =	vst v63  }
0x121: {  	s9 =	rddreg [dreg:$0x1c]  }
0x122: {  	[tilespmem:s23], [sflag:$0x1] =	stream.indirect_vreg.gather [hbm4b:s9+s2], $0x80, v2, vm0, $0xb8;
	[tilespmem:$0x10200] =	vst v63  }
0x123: {  	s12 =	rddreg [dreg:$0x1f]  }
0x124: {  	[tilespmem:s24], [sflag:$0x1] =	stream.indirect_vreg.gather [hbm4b:s10+s2], $0x80, v2, vm0, $0xb8;
	[tilespmem:$0x10200] =	vst v63  }
0x125: {  	s11 =	rddreg [dreg:$0x1e]  }
0x126: {  	[tilespmem:s25], [sflag:$0x1] =	stream.indirect_vreg.gather [hbm4b:s11+s2], $0x80, v2, vm0, $0xb8;
	[tilespmem:$0x10200] =	vst v63  }
0x127: {  	s13 =	sld [smem:$0x7EE]  }
0x128: {  	[tilespmem:s26], [sflag:$0x1] =	stream.indirect_vreg.gather [hbm4b:s12+s2], $0x80, v2, vm0, $0xb8;
	[tilespmem:$0x10200] =	vst v63  }
0x129: {  	s14 =	sld [smem:$0x7EF]  }
0x12a: {  	[tilespmem:s28], [sflag:$0x1] =	stream.indirect_vreg.gather [hbm4b:s13+s2], $0x80, v2, vm0, $0xb8;
	[tilespmem:$0x10200] =	vst v63  }
0x12b: {  	s15 =	sld [smem:$0x7F0]  }
0x12c: {  	[tilespmem:s29], [sflag:$0x1] =	stream.indirect_vreg.gather [hbm4b:s14+s2], $0x80, v2, vm0, $0xb8;
	[tilespmem:$0x10200] =	vst v63  }
0x12d: {  	_ = 	snop  }
0x12e: {  	[tilespmem:s30], [sflag:$0x1] =	stream.indirect_vreg.gather [hbm4b:s15+s2], $0x80, v2, vm0, $0xb8;
	[tilespmem:$0x10200] =	vst v63  }
0x12f: {  	_ =	swait.ge [sflag:s31], $0x10000  }
0x130: {  	[sflag:s31] =	ssyncset.done $0x0  }
0x131: {  	[sflag:s31] =	ssyncadd.s32 $0xFFFF0000  }
0x132: {  	[hbm4b:s3+s2] =	stream.linear.scatter [tilespmem:s8], [sflag:$0x2], $0x10000, $0x38;
	[tilespmem:$0x10200] =	vst v63  }
0x133: {  	_ =	swait.ge [sflag:s7], $0x10000  }
0x134: {  	s16 =	sld [smem:$0x7ED]  }
0x135: {  	s17 =	sld [smem:$0x7F4];
	_ =	sdelay $0x1  }
0x136: {  	s1 =	sadd.s32 $0x1, s16  }
0x137: {  	p0 =	sne.s32 s1, s17  }
.Ltmp1:
0x138: {  	_ = 	snop;
	(pc) =	sbr.rel @p0 .LBB2_1-.Ltmp1, $3  }
0x139: {  	_ =	sdelay $0x1  }
0x13a: {  	[sflag:s7] =	ssyncset.done $0x0  }
0x13b: {  	[sflag:s7] =	ssyncadd.s32 $0xFFFF0000  }
0x13c: {  	_ =	sfence.sel $0x180000  }
0x13d: {  	[bflag:$0x0] =	sbarrier.arrive $0xFFFF  }
0x13e: {  	_ =	strace $0x9000004A  }
0x13f: {  	s0 =	stileid.u32;
	[bflag:$0x2] =	sbarrier.arrive $0xFFFF  }
0x140: {  	p0 =	sne.s32 s0, $0x0;
	s0 =	rddreg [dreg:$0x3]  }
0x141: {  	s0 =	sadd.s32 @!p0 $0x100000, s0  }
0x142: {  	[sflag:s0] =	ssyncadd.tile.s32 @!p0 $0x1;
	_ =	shalt  }
.Lfunc_end2:
_tile_overlayer_lowered:
.L_overlay_start_2:
0x143: {  	(tag) =	ssettag $0x2  }
0x144: {  	s0 =	rddreg [dreg:$0x0];
	s2 =	stileid.u32  }
0x145: {  	s1 =	rddreg [dreg:$0x1];
	p0 =	sne.s32 s2, $0x0  }
0x146: {  	s3 =	rddreg [dreg:$0x2];
	[bflag:$0x3] =	sbarrier.arrive $0xFFFF;
	s2 =	simm.s32 @!p0 $0x1C02  }
0x147: {  	[timem:s3], [sflag:s2] =	dma.local @!p0 [hbm:s0], s1  }
0x148: {  	s0 =	simm.s32 @!p0 $0x2  }
0x149: {  	_ =	swait.ge @!p0 [sflag:s0], s1  }
0x14a: {  	s1 =	ssub.s32 @!p0 $0x0, s1;
	[sflag:s0] =	ssyncset.done @!p0 $0x0  }
0x14b: {  	[sflag:s0] =	ssyncadd.s32 @!p0 s1  }
0x14c: {  	[bflag:$0x3] =	sbarrier.arrive $0xFFFF  }
0x14d: {  	_ =	shalt  }

// kernel: kernel.9.cloned.1.call-start
scs
__scs_entry_jumppad:
0x0: {  	(pc) =	sbr.rel $0x88, $3  }
0x1: {  	(tag) =	ssettag $0x0;
	lr =	simm.s32 $0x1  }
0x2: {  	[smem:$0x3F9E] =	sst lr;
	_ =	strace $0xD0000000  }
0x3: {  	_ = 	snop  }
0x4: {  	_ = 	snop  }
0x5: {  	_ = 	snop  }
0x6: {  	_ = 	snop  }
0x7: {  	_ = 	snop  }
__scs_overlays_trampoline_lowered:
0x8: {  	[smem:$0x3FAD] =	sst s0  }
0x9: {  	[smem:$0x3FAE] =	sst s1  }
0xa: {  	[smem:$0x3FAF] =	sst s2  }
0xb: {  	[smem:$0x3FB0] =	sst s3  }
0xc: {  	[smem:$0x3FB1] =	sst s4  }
0xd: {  	[smem:$0x3FB2] =	sst s5  }
0xe: {  	[smem:$0x3FB3] =	sst s6  }
0xf: {  	[smem:$0x3FB4] =	sst s7  }
0x10: {  	[smem:$0x3FB5] =	sst s8  }
0x11: {  	[smem:$0x3FB6] =	sst s9;
	s0 =	simm.s32 @!p0 $0x0  }
0x12: {  	s1 =	sld [smem:$0x3F9C];
	s0 =	simm.s32 @p0 $0x1  }
0x13: {  	[smem:$0x3FB7] =	sst s0;
	s0 =	simm.s32 @!p1 $0x0  }
0x14: {  	s2 =	sld [smem:$0x3F9B];
	s0 =	simm.s32 @p1 $0x1  }
0x15: {  	[smem:$0x3FB8] =	sst s0;
	s0 =	simm.s32 @!p2 $0x0  }
0x16: {  	s3 =	sld [smem:$0x3FDB];
	s0 =	simm.s32 @p2 $0x1  }
0x17: {  	s4 =	simm.s32 $0x1BF5;
	[smem:$0x3FBA] =	sst s0  }
0x18: {  	s0 =	sld [smem:$0x3F9D];
	_ =	swait.ge [sflag:s4], $0x0  }
0x19: {  	s7 =	sld [smem:$0x3F9E]  }
0x1a: {  	s8 =	sadd.s32 $0xFFFFE003, lr  }
0x1b: {  	s9 =	sadd.s32 $0xFFFFFEF7, lr;
	s5 =	simm.s32 $0xFFFFFFFF;
	p2 =	slt.u32 s8, $0xFFFFF086  }
0x1c: {  	p1 =	slt.u32 s9, $0xF7A;
	s5 =	simm.s32 @!p2 $0x0  }
0x1d: {  	s5 =	simm.s32 @p1 $0x1;
	p0 =	seq.s32 s7, s2  }
0x1e: {  	s7 =	smul.u32 @!p0 $0xF7A, s2;
	p2 =	seq.s32 @!p0 s5, $0x0  }
0x1f: {  	s9 =	smul.u32 $0xF7A, s1;
	s8 =	simm.s32 @!p0 $0x1BF5;
	p2 =	por !p2, p0  }
0x20: {  	[sflag:s8] =	ssyncset.s32 @!p0 $0xFFFFF086;
	s6 =	sadd.s32 @!p0 s3, s7;
	s7 =	simm.s32 @!p0 $0x108  }
0x21: {  	s3 =	sadd.s32 s3, s9;
	s6 =	sadd.s32 @!p0 $0x88, s6;
	s7 =	simm.s32 @p2 $0x1082  }
0x22: {  	[simem:s7], [sflag:s8] =	dma.local @!p0 [hbm:s6], $0xF7A  }
0x23: {  	s9 =	sor.u32 $0xD0000000, s2;
	s6 =	simm.s32 $0x108;
	_ =	swait.ge @!p0 [sflag:s8], $0x0  }
0x24: {  	s3 =	sadd.s32 $0x88, s3;
	s6 =	simm.s32 @!p1 $0x1082;
	[sflag:s4] =	ssyncset.s32 $0xFFFFF086  }
0x25: {  	[simem:s6], [sflag:s4] =	dma.local [hbm:s3], $0xF7A  }
0x26: {  	[smem:$0x3F9E] =	sst s1;
	(tag) =	ssettag s2;
	_ =	strace s9  }
0x27: {  	s1 =	sld [smem:$0x3FAE]  }
0x28: {  	s2 =	sld [smem:$0x3FAF]  }
0x29: {  	s4 =	sld [smem:$0x3FB1]  }
0x2a: {  	p0 =	seq.s32 s5, $0x0;
	s5 =	sld [smem:$0x3FB2]  }
0x2b: {  	s6 =	sld [smem:$0x3FB3]  }
0x2c: {  	s7 =	sld [smem:$0x3FB4]  }
0x2d: {  	s3 =	simm.s32 $0x108;
	s8 =	sld [smem:$0x3FB5]  }
0x2e: {  	s3 =	simm.s32 @!p0 $0x1082;
	s9 =	sld [smem:$0x3FB6]  }
0x2f: {  	lr =	sadd.s32 s0, s3;
	s0 =	sld [smem:$0x3FAD]  }
0x30: {  	s3 =	sld [smem:$0x3FB0]  }
0x31: {  	[smem:$0x3FB9] =	sst s10  }
0x32: {  	s10 =	sld [smem:$0x3FB7];
	_ =	sdelay $0x3  }
0x33: {  	p0 =	seq.s32 s10, $0x1;
	s10 =	sld [smem:$0x3FB9];
	_ =	sdelay $0x3  }
0x34: {  	[smem:$0x3FB9] =	sst s10  }
0x35: {  	s10 =	sld [smem:$0x3FB8];
	_ =	sdelay $0x3  }
0x36: {  	p1 =	seq.s32 s10, $0x1;
	s10 =	sld [smem:$0x3FB9];
	_ =	sdelay $0x3  }
0x37: {  	[smem:$0x3FB9] =	sst s10  }
0x38: {  	s10 =	sld [smem:$0x3FBA]  }
0x39: {  	_ = 	snop;
	(pc) =	sbr.ind lr, $3  }
0x3a: {  	_ = 	snop  }
0x3b: {  	_ = 	snop  }
0x3c: {  	p2 =	seq.s32 s10, $0x1;
	s10 =	sld [smem:$0x3FB9]  }
0x3d: {  	_ =	shalt  }
0x3e: {  	_ =	shalt  }
0x3f: {  	_ =	shalt  }
0x40: {  	_ =	shalt  }
0x41: {  	_ =	shalt  }
0x42: {  	_ =	shalt  }
0x43: {  	_ =	shalt  }
0x44: {  	_ =	shalt  }
0x45: {  	_ =	shalt  }
0x46: {  	_ =	shalt  }
0x47: {  	_ =	shalt  }
0x48: {  	_ =	shalt  }
0x49: {  	_ =	shalt  }
0x4a: {  	_ =	shalt  }
0x4b: {  	_ =	shalt  }
0x4c: {  	_ =	shalt  }
0x4d: {  	_ =	shalt  }
0x4e: {  	_ =	shalt  }
0x4f: {  	_ =	shalt  }
0x50: {  	_ =	shalt  }
0x51: {  	_ =	shalt  }
0x52: {  	_ =	shalt  }
0x53: {  	_ =	shalt  }
0x54: {  	_ =	shalt  }
0x55: {  	_ =	shalt  }
0x56: {  	_ =	shalt  }
0x57: {  	_ =	shalt  }
0x58: {  	_ =	shalt  }
0x59: {  	_ =	shalt  }
0x5a: {  	_ =	shalt  }
0x5b: {  	_ =	shalt  }
0x5c: {  	_ =	shalt  }
0x5d: {  	_ =	shalt  }
0x5e: {  	_ =	shalt  }
0x5f: {  	_ =	shalt  }
0x60: {  	_ =	shalt  }
0x61: {  	_ =	shalt  }
0x62: {  	_ =	shalt  }
0x63: {  	_ =	shalt  }
0x64: {  	_ =	shalt  }
0x65: {  	_ =	shalt  }
0x66: {  	_ =	shalt  }
0x67: {  	_ =	shalt  }
0x68: {  	_ =	shalt  }
0x69: {  	_ =	shalt  }
0x6a: {  	_ =	shalt  }
0x6b: {  	_ =	shalt  }
0x6c: {  	_ =	shalt  }
0x6d: {  	_ =	shalt  }
0x6e: {  	_ =	shalt  }
0x6f: {  	_ =	shalt  }
0x70: {  	_ =	shalt  }
0x71: {  	_ =	shalt  }
0x72: {  	_ =	shalt  }
0x73: {  	_ =	shalt  }
0x74: {  	_ =	shalt  }
0x75: {  	_ =	shalt  }
0x76: {  	_ =	shalt  }
0x77: {  	_ =	shalt  }
0x78: {  	_ =	shalt  }
0x79: {  	_ =	shalt  }
0x7a: {  	_ =	shalt  }
0x7b: {  	_ =	shalt  }
0x7c: {  	_ =	shalt  }
0x7d: {  	_ =	shalt  }
0x7e: {  	_ =	shalt  }
0x7f: {  	_ =	shalt  }
0x80: {  	_ =	shalt  }
0x81: {  	_ =	shalt  }
0x82: {  	_ =	shalt  }
0x83: {  	_ =	shalt  }
0x84: {  	_ =	shalt  }
0x85: {  	_ =	shalt  }
0x86: {  	_ =	shalt  }
0x87: {  	_ =	shalt  }
.Lfunc_end0:
.L_simem_size_0:
called_computation.1_lowered:
.L_overlay_start_0:
0x88: {  	s2 =	sld [smem:$0x3FD9]  }
0x89: {  	s3 =	sld [smem:$0x3FFE];
	_ =	sdelay $0x1  }
0x8a: {  	s1 =	srdreg.scid  }
0x8b: {  	s0 =	sand.u32 $0x1, s1  }
0x8c: {  	s16 =	sshll.u32 s0, $0xA;
	s2 =	sadd.s32 s3, s2  }
0x8d: {  	s2 =	sadd.s32 s2, s16  }
0x8e: {  	[smem:$0x3FC5] =	sst s2  }
0x8f: {  	_ = 	snop  }
0x90: {  	(tm) =	ssettm $0x1  }
0x91: {  	s17 =	sld [smem:$0x3FFB];
	_ =	sdelay $0x3  }
0x92: {  	_ =	strace s17  }
0x93: {  	s2 =	sld [smem:$0x3FFC];
	_ =	sdelay $0x3  }
0x94: {  	_ =	strace s2  }
0x95: {  	s2 =	sld [smem:$0x3FFD];
	_ =	sdelay $0x3  }
0x96: {  	_ =	strace s2  }
0x97: {  	_ =	strace $0x8FFFFFFF  }
0x98: {  	s18 =	sld [smem:$0x3FDB];
	_ =	sdelay $0x1  }
0x99: {  	s19 =	simm.s32 $_scs_section_size  }
0x9a: {  	s4 =	simm.s32 $_size__tile_overlayer_lowered;
	s5 =	simm.s32 $_tile_overlayer_lowered  }
0x9b: {  	s22 =	simm.s32 $0x1BFF;
	s21 =	sshll.u32 s5, $0x1;
	s2 =	sadd.s32 s19, s18  }
0x9c: {  	s6 =	simm.s32 $0x0;
	s20 =	sshll.u32 s4, $0x1;
	s4 =	sadd.s32 s21, s2  }
0x9d: {  	[timem:s6], [sflag:s22] =	dma.local [hbm:s4], s20  }
0x9e: {  	_ =	swait.ge [sflag:s22], s20  }
0x9f: {  	s3 =	ssub.s32 $0x0, s20;
	[sflag:s22] =	ssyncset.done $0x0  }
0xa0: {  	[sflag:s22] =	ssyncadd.s32 s3;
	_ =	sdelay $0x1  }
0xa1: {  	s23 =	simm.s32 $0x1B8B  }
0xa2: {  	_ =	swait.ge [sflag:s23], $0x1  }
0xa3: {  	[sflag:s23] =	ssyncset.done $0x0  }
0xa4: {  	s25 =	simm.s32 $0x1B8E;
	s24 =	sld [smem:$0x3FFE];
	[sflag:s23] =	ssyncadd.s32 $0xFFFFFFFF  }
0xa5: {  	s26 =	simm.s32 $execute0_lowered;
	[smem:$0x3FD2] =	sst s25  }
0xa6: {  	s4 =	sshll.u32 s26, $0x1;
	_ =	strace $0x80000046;
	[dreg:$0x1] =	wrdreg $0xFFFFFFFF  }
0xa7: {  	s28 =	simm.s32 $_size_execute0_lowered;
	s2 =	sadd.s32 s2, s4;
	[dreg:$0x0] =	wrdreg $0x0  }
0xa8: {  	s4 =	sshll.u32 s28, $0x1;
	[dreg:$0x2] =	wrdreg s2  }
0xa9: {  	[dreg:$0x3] =	wrdreg s4  }
0xaa: {  	[dreg:$0x4] =	wrdreg $0xC0  }
0xab: {  	_ =	task [dreg:s6], $0x5FFFF  }
0xac: {  	[dreg:$0x1] =	wrdreg $0xFFFFFFFF  }
0xad: {  	[dreg:$0x0] =	wrdreg $0x60  }
0xae: {  	[dreg:$0x2] =	wrdreg s24  }
0xaf: {  	[dreg:$0x3] =	wrdreg $0xA  }
0xb0: {  	_ =	task.clear_ibuf [dreg:s6], $0x4FFFF;
	_ =	strace $0x90000046  }
0xb1: {  	s29 =	simm.s32 $0xA;
	_ =	strace $0x80000048  }
0xb2: {  	_ =	swait.ge [sflag:s29], $0x1  }
0xb3: {  	[sflag:s29] =	ssyncadd.s32 $0xFFFFFFFF  }
0xb4: {  	_ =	strace $0x90000048  }
0xb5: {  	_ =	sfence  }
0xb6: {  	s30 =	sld [smem:$0x0];
	_ =	sdelay $0x2  }
0xb7: {  	s31 =	sshll.u32 s1, $0xD;
	s1 =	sshrl.u32 s1, $0x2  }
0xb8: {  	s3 =	sand.u32 $0x4000, s31;
	s1 =	sadd.s32 s1, s30  }
0xb9: {  	s0 =	sor.u32 s3, s0;
	s1 =	sshll.u32 s1, $0x11  }
0xba: {  	s0 =	sor.u32 s1, s0  }
0xbb: {  	s0 =	sadd.s32 $0x8F2B, s0  }
0xbc: {  	[sflag:s0] =	ssyncadd.remote.s32 $0x1  }
0xbd: {  	_ =	sfence.sel $0xFFFF  }
0xbe: {  	[dreg:$0x0] =	wrdreg $0xFFFFFFFF;
	(pc) =	sbr.abs _section_cstart, $3  }
0xbf: {  	[dreg:$0x1] =	wrdreg $0xFFFFFFFF  }
0xc0: {  	_ =	task.clear_ibuf [dreg:s6], $0x2FFFF;
	_ =	strace $0x9FFFFFFF  }
0xc1: {  	(tm) =	ssettm $0x7FFFFFFF  }
tec
execute0_lowered:
.L_overlay_start_1:
0x0: {  	(tag) =	ssettag $0x1  }
0x1: {  	s0 =	rddreg [dreg:$0x0];
	s2 =	simm.s32 $0x0;
	s3 =	srdreg.scid  }
0x2: {  	s1 =	stileid.u32;
	s11 =	simm.s32 $0x200;
	s12 =	simm.s32 $0x80  }
0x3: {  	s13 =	simm.s32 $0x600;
	s14 =	simm.s32 $0x1;
	s15 =	simm.s32 $0x400  }
0x4: {  	s16 =	simm.s32 $0x800;
	s17 =	simm.s32 $0x680;
	s18 =	simm.s32 $0x480  }
0x5: {  	s19 =	simm.s32 $0x4800;
	s20 =	simm.s32 $0x100;
	s21 =	simm.s32 $0x700  }
0x6: {  	s22 =	simm.s32 $0x500;
	s23 =	simm.s32 $0x8800;
	s24 =	simm.s32 $0x180  }
0x7: {  	s25 =	simm.s32 $0x780;
	s26 =	simm.s32 $0x580;
	s28 =	simm.s32 $0xC800  }
0x8: {  	s29 =	simm.s32 $0x10800;
	s30 =	simm.s32 $0x0;
	[smem:$0x7FF] =	sst s2  }
0x9: {  	s5 =	sand.u32 $0x1, s3;
	s31 =	sshll.u32 s1, $0x1;
	s3 =	sadd.s32 $0x802400, s0  }
0xa: {  	s4 =	sadd.s32 $0x1400, s0;
	_ =	strace $0x80000047;
	s6 =	sor.u32 s5, s31  }
0xb: {  	s9 =	ssub.s32 $0x2, s5;
	s7 =	sshll.u32 s6, $0x6;
	s8 =	sshll.u32 s6, $0x4  }
0xc: {  	s6 =	sshll.u32 s6, $0xD;
	s10 =	sshrl.u32 s9, $0x1;
	s7 =	sadd.s32 s7, s0  }
0xd: {  	s8 =	sadd.s32 s8, s0;
	s0 =	sadd.s32 s6, s0;
	s9 =	ssub.s32 s9, s10  }
0xe: {  	s10 =	simm.s32 $0x2;
	s5 =	sadd.s32 $0x801400, s7;
	s6 =	sadd.s32 $0x801C00, s7  }
0xf: {  	s7 =	sadd.s32 $0x842800, s8;
	s8 =	sadd.s32 $0x802800, s0;
	s9 =	smax.u32 s9, $0x1  }
.LBB2_1:
0x10: {  	[tilespmem:s2], [sflag:$0x2] =	stream.linear.gather [hbm4b:s5+s2], $0x200, $0x38;
	[tilespmem:$0x10880] =	vst v63  }
0x11: {  	_ =	swait.ge [sflag:s10], $0x200  }
0x12: {  	[sflag:s10] =	ssyncset.done $0x0  }
0x13: {  	[sflag:s10] =	ssyncadd.s32 $0xFFFFFE00  }
0x14: {  	[tilespmem:s11], [sflag:$0x2] =	stream.linear.gather [hbm4b:s6+s2], $0x200, $0x38;
	[tilespmem:$0x10880] =	vst v63  }
0x15: {  	_ =	swait.ge [sflag:s10], $0x200  }
0x16: {  	[sflag:s10] =	ssyncset.done $0x0  }
0x17: {  	s31 =	simm.s32 $0x0;
	[sflag:s10] =	ssyncadd.s32 $0xFFFFFE00  }
0x18: {  	v0 =	vld [tilespmem:s31+$0x0]  }
0x19: {  	s0 =	simm.s32 $0x40;
	v1 =	vld [tilespmem:s31+$0x200]  }
.LBB2_2:
0x1a: {  	_ = 	snop  }
0x1b: {  	p0 =	sne.s32 s0, $0x7C0  }
.Ltmp0:
0x1c: {  	_ = 	snop;
	(pc) =	sbr.rel @p0 .LBB2_2-.Ltmp0, $4  }
0x1d: {  	_ = 	snop  }
0x1e: {  	s1 =	sshra.s32 s0, $0x2;
	v2 =	vshll.u32 v0, $0x6;
	v3 =	vshra.s32 v1, $0x7  }
0x1f: {  	v0 =	vld [tilespmem:s1+$0x0];
	v2 =	vadd.s32 v2, v3  }
0x20: {  	s0 =	sadd.s32 $0x40, s0;
	v1 =	vld [tilespmem:s1+$0x200];
	[tilespmem:s31+$0x400] =	vst v2;
	s31 =	smov.u32 s1  }
0x21: {  	_ =	sdelay $0x3  }
0x22: {  	v0 =	vshll.u32 v0, $0x6;
	v1 =	vshra.s32 v1, $0x7  }
0x23: {  	v0 =	vadd.s32 v0, v1  }
0x24: {  	[tilespmem:s31+$0x400] =	vst v0  }
0x25: {  	[tilespmem:s13], [sflag:$0x1] =	stream.indirect.gather [hbm4b:s3+s12], $0x1, s2, s12, $0xb8;
	[tilespmem:$0x10880] =	vst v63  }
0x26: {  	_ =	swait.ge [sflag:s14], $0x80  }
0x27: {  	[sflag:s14] =	ssyncset.done $0x0  }
0x28: {  	[sflag:s14] =	ssyncadd.s32 $0xFFFFFF80  }
0x29: {  	[tilespmem:s16], [sflag:$0x1] =	stream.indirect.gather [hbm4b:s4+s12], $0x80, s15, s12, $0xb8;
	[tilespmem:$0x10880] =	vst v63  }
0x2a: {  	_ =	swait.ge [sflag:s14], $0x4000  }
0x2b: {  	[sflag:s14] =	ssyncset.done $0x0  }
0x2c: {  	[sflag:s14] =	ssyncadd.s32 $0xFFFFC000  }
0x2d: {  	[tilespmem:s17], [sflag:$0x1] =	stream.indirect.gather [hbm4b:s3+s12], $0x1, s12, s12, $0xb8;
	[tilespmem:$0x10880] =	vst v63  }
0x2e: {  	_ =	swait.ge [sflag:s14], $0x80  }
0x2f: {  	[sflag:s14] =	ssyncset.done $0x0  }
0x30: {  	[sflag:s14] =	ssyncadd.s32 $0xFFFFFF80  }
0x31: {  	[tilespmem:s19], [sflag:$0x1] =	stream.indirect.gather [hbm4b:s4+s12], $0x80, s18, s12, $0xb8;
	[tilespmem:$0x10880] =	vst v63  }
0x32: {  	_ =	swait.ge [sflag:s14], $0x4000  }
0x33: {  	[sflag:s14] =	ssyncset.done $0x0  }
0x34: {  	[sflag:s14] =	ssyncadd.s32 $0xFFFFC000  }
0x35: {  	[tilespmem:s21], [sflag:$0x1] =	stream.indirect.gather [hbm4b:s3+s12], $0x1, s20, s12, $0xb8;
	[tilespmem:$0x10880] =	vst v63  }
0x36: {  	_ =	swait.ge [sflag:s14], $0x80  }
0x37: {  	[sflag:s14] =	ssyncset.done $0x0  }
0x38: {  	[sflag:s14] =	ssyncadd.s32 $0xFFFFFF80  }
0x39: {  	[tilespmem:s23], [sflag:$0x1] =	stream.indirect.gather [hbm4b:s4+s12], $0x80, s22, s12, $0xb8;
	[tilespmem:$0x10880] =	vst v63  }
0x3a: {  	_ =	swait.ge [sflag:s14], $0x4000  }
0x3b: {  	[sflag:s14] =	ssyncset.done $0x0  }
0x3c: {  	[sflag:s14] =	ssyncadd.s32 $0xFFFFC000  }
0x3d: {  	[tilespmem:s25], [sflag:$0x1] =	stream.indirect.gather [hbm4b:s3+s12], $0x1, s24, s12, $0xb8;
	[tilespmem:$0x10880] =	vst v63  }
0x3e: {  	_ =	swait.ge [sflag:s14], $0x80  }
0x3f: {  	[sflag:s14] =	ssyncset.done $0x0  }
0x40: {  	[sflag:s14] =	ssyncadd.s32 $0xFFFFFF80  }
0x41: {  	[tilespmem:s28], [sflag:$0x1] =	stream.indirect.gather [hbm4b:s4+s12], $0x80, s26, s12, $0xb8;
	[tilespmem:$0x10880] =	vst v63  }
0x42: {  	_ =	swait.ge [sflag:s14], $0x4000  }
0x43: {  	[sflag:s14] =	ssyncset.done $0x0  }
0x44: {  	[sflag:s14] =	ssyncadd.s32 $0xFFFFC000  }
0x45: {  	v34 =	vld [tilespmem:$0x600];
	_ =	sdelay $0x1  }
0x46: {  	v35 =	vld [tilespmem:$0x610];
	_ =	sdelay $0x1  }
0x47: {  	v2 =	vld [tilespmem:$0x620]  }
0x48: {  	v0 =	vadd.f32 $0.0e+00, v34  }
0x49: {  	v3 =	vld [tilespmem:$0x630]  }
0x4a: {  	v0 =	vadd.f32 v35, v0  }
0x4b: {  	v36 =	vld [tilespmem:$0x640]  }
0x4c: {  	v0 =	vadd.f32 v2, v0  }
0x4d: {  	v37 =	vld [tilespmem:$0x650]  }
0x4e: {  	v0 =	vadd.f32 v3, v0  }
0x4f: {  	v38 =	vld [tilespmem:$0x660]  }
0x50: {  	v0 =	vadd.f32 v36, v0  }
0x51: {  	v39 =	vld [tilespmem:$0x670]  }
0x52: {  	v0 =	vadd.f32 v37, v0  }
0x53: {  	v40 =	vld [tilespmem:$0x680]  }
0x54: {  	v0 =	vadd.f32 v38, v0  }
0x55: {  	v41 =	vld [tilespmem:$0x690]  }
0x56: {  	v0 =	vadd.f32 v39, v0  }
0x57: {  	v42 =	vld [tilespmem:$0x6A0]  }
0x58: {  	v0 =	vadd.f32 v40, v0  }
0x59: {  	v43 =	vld [tilespmem:$0x6B0]  }
0x5a: {  	v0 =	vadd.f32 v41, v0  }
0x5b: {  	v44 =	vld [tilespmem:$0x6C0]  }
0x5c: {  	v0 =	vadd.f32 v42, v0  }
0x5d: {  	v45 =	vld [tilespmem:$0x6D0]  }
0x5e: {  	v0 =	vadd.f32 v43, v0  }
0x5f: {  	v46 =	vld [tilespmem:$0x6E0]  }
0x60: {  	v0 =	vadd.f32 v44, v0  }
0x61: {  	v47 =	vld [tilespmem:$0x6F0]  }
0x62: {  	v0 =	vadd.f32 v45, v0  }
0x63: {  	v48 =	vld [tilespmem:$0x700]  }
0x64: {  	v0 =	vadd.f32 v46, v0  }
0x65: {  	v49 =	vld [tilespmem:$0x710]  }
0x66: {  	v0 =	vadd.f32 v47, v0  }
0x67: {  	v50 =	vld [tilespmem:$0x720]  }
0x68: {  	v0 =	vadd.f32 v48, v0  }
0x69: {  	v51 =	vld [tilespmem:$0x730]  }
0x6a: {  	v0 =	vadd.f32 v49, v0  }
0x6b: {  	v52 =	vld [tilespmem:$0x740]  }
0x6c: {  	v0 =	vadd.f32 v50, v0  }
0x6d: {  	v53 =	vld [tilespmem:$0x750]  }
0x6e: {  	v0 =	vadd.f32 v51, v0  }
0x6f: {  	v54 =	vld [tilespmem:$0x760]  }
0x70: {  	v0 =	vadd.f32 v52, v0  }
0x71: {  	v55 =	vld [tilespmem:$0x770]  }
0x72: {  	v0 =	vadd.f32 v53, v0  }
0x73: {  	v56 =	vld [tilespmem:$0x780]  }
0x74: {  	v0 =	vadd.f32 v54, v0  }
0x75: {  	v57 =	vld [tilespmem:$0x790]  }
0x76: {  	v0 =	vadd.f32 v55, v0  }
0x77: {  	v58 =	vld [tilespmem:$0x7A0]  }
0x78: {  	v0 =	vadd.f32 v56, v0  }
0x79: {  	v59 =	vld [tilespmem:$0x7B0]  }
0x7a: {  	v0 =	vadd.f32 v57, v0  }
0x7b: {  	v60 =	vld [tilespmem:$0x7C0]  }
0x7c: {  	v0 =	vadd.f32 v58, v0  }
0x7d: {  	v61 =	vld [tilespmem:$0x7D0]  }
0x7e: {  	v0 =	vadd.f32 v59, v0  }
0x7f: {  	v62 =	vld [tilespmem:$0x7E0]  }
0x80: {  	v0 =	vadd.f32 v60, v0  }
0x81: {  	v63 =	vld [tilespmem:$0x7F0]  }
0x82: {  	v0 =	vadd.f32 v61, v0;
	_ =	sdelay $0x1  }
0x83: {  	v0 =	vadd.f32 v62, v0;
	_ =	sdelay $0x1  }
0x84: {  	v0 =	vadd.f32 v63, v0;
	_ =	sdelay $0x1  }
0x85: {  	[tilespmem:$0x10800] =	vst v0  }
0x86: {  	[hbm4b:s7+s2] =	stream.linear.scatter [tilespmem:s29], [sflag:$0x2], $0x80, $0x38;
	[tilespmem:$0x10880] =	vst v63  }
0x87: {  	s30 =	sadd.s32 $0x1, s30;
	_ =	swait.ge [sflag:s10], $0x80  }
0x88: {  	p0 =	sne.s32 s30, s9;
	[sflag:s10] =	ssyncset.done $0x0  }
.Ltmp1:
0x89: {  	[sflag:s10] =	ssyncadd.s32 $0xFFFFFF80;
	(pc) =	sbr.rel @p0 .LBB2_1-.Ltmp1, $4  }
0x8a: {  	[hbm4b:s8+s2] =	stream.linear.scatter [tilespmem:s16], [sflag:$0x2], $0x10000, $0x38;
	[tilespmem:$0x10880] =	vst v63  }
0x8b: {  	_ =	swait.ge [sflag:s10], $0x10000  }
0x8c: {  	[sflag:s10] =	ssyncset.done $0x0  }
0x8d: {  	[sflag:s10] =	ssyncadd.s32 $0xFFFF0000  }
0x8e: {  	_ =	sfence.sel $0x180000  }
0x8f: {  	[bflag:$0x0] =	sbarrier.arrive $0xFFFF  }
0x90: {  	_ =	strace $0x90000047  }
0x91: {  	s0 =	stileid.u32;
	[bflag:$0x2] =	sbarrier.arrive $0xFFFF  }
0x92: {  	p0 =	sne.s32 s0, $0x0;
	s0 =	rddreg [dreg:$0x1]  }
0x93: {  	s0 =	sadd.s32 @!p0 $0x100000, s0  }
0x94: {  	[sflag:s0] =	ssyncadd.tile.s32 @!p0 $0x1;
	_ =	shalt  }
.Lfunc_end2:
_tile_overlayer_lowered:
.L_overlay_start_2:
0x95: {  	(tag) =	ssettag $0x2  }
0x96: {  	s0 =	rddreg [dreg:$0x0];
	s2 =	stileid.u32  }
0x97: {  	s1 =	rddreg [dreg:$0x1];
	p0 =	sne.s32 s2, $0x0  }
0x98: {  	s3 =	rddreg [dreg:$0x2];
	[bflag:$0x3] =	sbarrier.arrive $0xFFFF;
	s2 =	simm.s32 @!p0 $0x1C02  }
0x99: {  	[timem:s3], [sflag:s2] =	dma.local @!p0 [hbm:s0], s1  }
0x9a: {  	s0 =	simm.s32 @!p0 $0x2  }
0x9b: {  	_ =	swait.ge @!p0 [sflag:s0], s1  }
0x9c: {  	s1 =	ssub.s32 @!p0 $0x0, s1;
	[sflag:s0] =	ssyncset.done @!p0 $0x0  }
0x9d: {  	[sflag:s0] =	ssyncadd.s32 @!p0 s1  }
0x9e: {  	[bflag:$0x3] =	sbarrier.arrive $0xFFFF  }
0x9f: {  	_ =	shalt  }

</sc_bundles>
